<compile_context>
chip_gen: v7x
topology: tpu7x:2x2x1
jax: 0.10.2.dev20260603
libtpu: 0.0.44.dev20260713+nightly
codegen_flags: <defaults>
</compile_context>

<pallas_src>
import functools

import jax
import jax.numpy as jnp
from jax import lax
from jax.experimental import pallas as pl
from jax.experimental.pallas import tpu as pltpu, tpu_sc as plsc

ENTITY_NUM = 100000
HIDDEN_DIM = 128
N = ENTITY_NUM * HIDDEN_DIM

NUM_CORES = 2
NUM_SUBCORES = 16
NW = NUM_CORES * NUM_SUBCORES
LANES = 16

PER_W = N // NW
CHUNK = 4000
NCHUNKS = PER_W // CHUNK
NBUF = 4
assert PER_W % CHUNK == 0 and CHUNK % LANES == 0 and NCHUNKS % NBUF == 0


def _body(x_hbm, y_hbm, t_hbm, out_hbm, gate_hbm, *scratch):
    t_v = scratch[0:NBUF]
    x_v = scratch[NBUF:2 * NBUF]
    y_v = scratch[2 * NBUF:3 * NBUF]
    g_v = scratch[3 * NBUF:4 * NBUF]
    o_v = scratch[4 * NBUF:5 * NBUF]
    in_sems = scratch[5 * NBUF:6 * NBUF]
    out_sems = scratch[6 * NBUF:7 * NBUF]

    wid = lax.axis_index("s") * NUM_CORES + lax.axis_index("c")
    base0 = wid * PER_W

    def start_in(ci, b):
        base = base0 + ci * CHUNK
        pltpu.async_copy(t_hbm.at[pl.ds(base, CHUNK)], t_v[b], in_sems[b])
        pltpu.async_copy(x_hbm.at[pl.ds(base, CHUNK)], x_v[b], in_sems[b])
        pltpu.async_copy(y_hbm.at[pl.ds(base, CHUNK)], y_v[b], in_sems[b])

    def wait_in(b):
        pltpu.make_async_copy(t_hbm.at[pl.ds(0, CHUNK)], t_v[b], in_sems[b]).wait()
        pltpu.make_async_copy(x_hbm.at[pl.ds(0, CHUNK)], x_v[b], in_sems[b]).wait()
        pltpu.make_async_copy(y_hbm.at[pl.ds(0, CHUNK)], y_v[b], in_sems[b]).wait()

    def start_out(ci, b):
        base = base0 + ci * CHUNK
        pltpu.async_copy(x_v[b], out_hbm.at[pl.ds(base, CHUNK)], out_sems[b])
        pltpu.async_copy(t_v[b], gate_hbm.at[pl.ds(base, CHUNK)], out_sems[b])

    def wait_out(b):
        pltpu.make_async_copy(o_v[b], out_hbm.at[pl.ds(0, CHUNK)], out_sems[b]).wait()
        pltpu.make_async_copy(g_v[b], gate_hbm.at[pl.ds(0, CHUNK)], out_sems[b]).wait()

    for b in range(NBUF):
        start_in(b, b)

    @pl.loop(0, NCHUNKS, step=NBUF)
    def _outer(ci0):
        for b in range(NBUF):
            ci = ci0 + b
            wait_in(b)

            @pl.when(ci >= NBUF)
            def _():
                wait_out(b)

            start_out(ci, b)

            @pl.when(ci + NBUF < NCHUNKS)
            def _():
                start_in(ci + NBUF, b)

    for b in range(NBUF):
        wait_out(b)


@jax.jit
def _gating(xf, yf, tf):
    f = pl.kernel(
        _body,
        out_type=(
            jax.ShapeDtypeStruct((N,), jnp.float32),
            jax.ShapeDtypeStruct((N,), jnp.float32),
        ),
        mesh=plsc.VectorSubcoreMesh(core_axis_name="c", subcore_axis_name="s"),
        scratch_types=(
            [pltpu.VMEM((CHUNK,), jnp.float32)] * (5 * NBUF)
            + [pltpu.SemaphoreType.DMA] * (2 * NBUF)
        ),
    )
    return f(xf, yf, tf)


def kernel(X, Y, gate_theta):
    out, gate = _gating(
        X.reshape(-1), Y.reshape(-1), gate_theta.reshape(-1)
    )
    return out.reshape(X.shape), gate.reshape(X.shape)

# --- scband reference (transcript-rebuilt; emitter-appended) ---
"""Pipeline reference for scband-hgls-54082228191467 (READ-ONLY COPY).

The authoritative reference and input builder live on the scoring server;
editing this copy changes nothing except your own understanding.
"""

import jax, jax.numpy as jnp
import numpy as np

ENTITY_NUM = 100000
HIDDEN_DIM = 128

def _xavier_uniform(key, shape):
    fan_in, fan_out = shape[1], shape[0]
    limit = float(np.sqrt(6.0 / (fan_in + fan_out)))
    return jax.random.uniform(key, shape, dtype=jnp.float32, minval=-limit, maxval=limit)

def setup_inputs(seed: int = 0) -> dict:
    key = jax.random.key(seed)
    kx, ky, kw = jax.random.split(key, 3)
    X = jax.random.normal(kx, (ENTITY_NUM, HIDDEN_DIM), dtype=jnp.float32)
    Y = jax.random.normal(ky, (ENTITY_NUM, HIDDEN_DIM), dtype=jnp.float32)
    gate_theta = _xavier_uniform(kw, (ENTITY_NUM, HIDDEN_DIM))
    return {"X": X, "Y": Y, "gate_theta": gate_theta}

def reference(X, Y, gate_theta):
    # GatingMechanism.forward: gate = sigmoid(theta); out = gate*X + (1-gate)*Y
    gate = jax.nn.sigmoid(gate_theta)
    output = gate * X + (1.0 - gate) * Y
    return (output, gate)

if __name__ == "__main__":
    import jax
    _d = setup_inputs()
    print(jax.jit(kernel)(*tuple(_d.values())))

</pallas_src>

<mosaic_0001>
#map = affine_map<(d0, d1) -> (0)>
module attributes {stable_mosaic.version = 14 : i64} {
  func.func @_body(%arg0: i32, %arg1: i32, %arg2: memref<12800000xf32, #tpu.memory_space<hbm>>, %arg3: memref<12800000xf32, #tpu.memory_space<hbm>>, %arg4: memref<12800000xf32, #tpu.memory_space<hbm>>, %arg5: memref<12800000xf32, #tpu.memory_space<hbm>>, %arg6: memref<12800000xf32, #tpu.memory_space<hbm>>, %arg7: memref<4000xf32, #tpu.memory_space<vmem>>, %arg8: memref<4000xf32, #tpu.memory_space<vmem>>, %arg9: memref<4000xf32, #tpu.memory_space<vmem>>, %arg10: memref<4000xf32, #tpu.memory_space<vmem>>, %arg11: memref<4000xf32, #tpu.memory_space<vmem>>, %arg12: memref<4000xf32, #tpu.memory_space<vmem>>, %arg13: memref<4000xf32, #tpu.memory_space<vmem>>, %arg14: memref<4000xf32, #tpu.memory_space<vmem>>, %arg15: memref<4000xf32, #tpu.memory_space<vmem>>, %arg16: memref<4000xf32, #tpu.memory_space<vmem>>, %arg17: memref<4000xf32, #tpu.memory_space<vmem>>, %arg18: memref<4000xf32, #tpu.memory_space<vmem>>, %arg19: memref<4000xf32, #tpu.memory_space<vmem>>, %arg20: memref<4000xf32, #tpu.memory_space<vmem>>, %arg21: memref<4000xf32, #tpu.memory_space<vmem>>, %arg22: memref<4000xf32, #tpu.memory_space<vmem>>, %arg23: memref<4000xf32, #tpu.memory_space<vmem>>, %arg24: memref<4000xf32, #tpu.memory_space<vmem>>, %arg25: memref<4000xf32, #tpu.memory_space<vmem>>, %arg26: memref<4000xf32, #tpu.memory_space<vmem>>, %arg27: memref<!tpu.dma_semaphore, #tpu.memory_space<semaphore_mem>>, %arg28: memref<!tpu.dma_semaphore, #tpu.memory_space<semaphore_mem>>, %arg29: memref<!tpu.dma_semaphore, #tpu.memory_space<semaphore_mem>>, %arg30: memref<!tpu.dma_semaphore, #tpu.memory_space<semaphore_mem>>, %arg31: memref<!tpu.dma_semaphore, #tpu.memory_space<semaphore_mem>>, %arg32: memref<!tpu.dma_semaphore, #tpu.memory_space<semaphore_mem>>, %arg33: memref<!tpu.dma_semaphore, #tpu.memory_space<semaphore_mem>>, %arg34: memref<!tpu.dma_semaphore, #tpu.memory_space<semaphore_mem>>) attributes {dimension_semantics = [#tpu.dimension_semantics<core_parallel>, #tpu.dimension_semantics<subcore_parallel>], iteration_bounds = array<i64: 2, 16>, scalar_prefetch = 0 : i64, scratch_operands = 28 : i64, tpu.core_type = #tpu.core_type<sc_vector_subcore>, window_params = [{transform_indices = #map}, {transform_indices = #map}, {transform_indices = #map}, {transform_indices = #map}, {transform_indices = #map}]} {
    %mul3A = arith.constant 2 : i32
    %mul3A_0 = arith.muli %arg1, %mul3A : i32
    %add3A = arith.addi %mul3A_0, %arg0 : i32
    %mul3A_1 = arith.constant 400000 : i32
    %mul3A_2 = arith.muli %add3A, %mul3A_1 : i32
    %add3A_3 = arith.constant 0 : i32
    %add3A_4 = arith.addi %mul3A_2, %add3A_3 : i32
    %dma_start3A = tpu.memref_slice %arg4[%add3A_4] : memref<12800000xf32, #tpu.memory_space<hbm>> -> memref<4000xf32, #tpu.memory_space<hbm>>
    %dma_start3A_5 = tpu.memref_slice %arg4[%add3A_4] : memref<12800000xf32, #tpu.memory_space<hbm>> -> memref<4000xf32, #tpu.memory_space<hbm>>
    tpu.enqueue_dma source(%dma_start3A_5 : memref<4000xf32, #tpu.memory_space<hbm>>) target(%arg7 : memref<4000xf32, #tpu.memory_space<vmem>>) target_semaphore(%arg27 : memref<!tpu.dma_semaphore, #tpu.memory_space<semaphore_mem>>)
    %dma_start3A_6 = tpu.memref_slice %arg2[%add3A_4] : memref<12800000xf32, #tpu.memory_space<hbm>> -> memref<4000xf32, #tpu.memory_space<hbm>>
    %dma_start3A_7 = tpu.memref_slice %arg2[%add3A_4] : memref<12800000xf32, #tpu.memory_space<hbm>> -> memref<4000xf32, #tpu.memory_space<hbm>>
    tpu.enqueue_dma source(%dma_start3A_7 : memref<4000xf32, #tpu.memory_space<hbm>>) target(%arg11 : memref<4000xf32, #tpu.memory_space<vmem>>) target_semaphore(%arg27 : memref<!tpu.dma_semaphore, #tpu.memory_space<semaphore_mem>>)
    %dma_start3A_8 = tpu.memref_slice %arg3[%add3A_4] : memref<12800000xf32, #tpu.memory_space<hbm>> -> memref<4000xf32, #tpu.memory_space<hbm>>
    %dma_start3A_9 = tpu.memref_slice %arg3[%add3A_4] : memref<12800000xf32, #tpu.memory_space<hbm>> -> memref<4000xf32, #tpu.memory_space<hbm>>
    tpu.enqueue_dma source(%dma_start3A_9 : memref<4000xf32, #tpu.memory_space<hbm>>) target(%arg15 : memref<4000xf32, #tpu.memory_space<vmem>>) target_semaphore(%arg27 : memref<!tpu.dma_semaphore, #tpu.memory_space<semaphore_mem>>)
    %add3A_10 = arith.constant 4000 : i32
    %add3A_11 = arith.addi %mul3A_2, %add3A_10 : i32
    %dma_start3A_12 = tpu.memref_slice %arg4[%add3A_11] : memref<12800000xf32, #tpu.memory_space<hbm>> -> memref<4000xf32, #tpu.memory_space<hbm>>
    %dma_start3A_13 = tpu.memref_slice %arg4[%add3A_11] : memref<12800000xf32, #tpu.memory_space<hbm>> -> memref<4000xf32, #tpu.memory_space<hbm>>
    tpu.enqueue_dma source(%dma_start3A_13 : memref<4000xf32, #tpu.memory_space<hbm>>) target(%arg8 : memref<4000xf32, #tpu.memory_space<vmem>>) target_semaphore(%arg28 : memref<!tpu.dma_semaphore, #tpu.memory_space<semaphore_mem>>)
    %dma_start3A_14 = tpu.memref_slice %arg2[%add3A_11] : memref<12800000xf32, #tpu.memory_space<hbm>> -> memref<4000xf32, #tpu.memory_space<hbm>>
    %dma_start3A_15 = tpu.memref_slice %arg2[%add3A_11] : memref<12800000xf32, #tpu.memory_space<hbm>> -> memref<4000xf32, #tpu.memory_space<hbm>>
    tpu.enqueue_dma source(%dma_start3A_15 : memref<4000xf32, #tpu.memory_space<hbm>>) target(%arg12 : memref<4000xf32, #tpu.memory_space<vmem>>) target_semaphore(%arg28 : memref<!tpu.dma_semaphore, #tpu.memory_space<semaphore_mem>>)
    %dma_start3A_16 = tpu.memref_slice %arg3[%add3A_11] : memref<12800000xf32, #tpu.memory_space<hbm>> -> memref<4000xf32, #tpu.memory_space<hbm>>
    %dma_start3A_17 = tpu.memref_slice %arg3[%add3A_11] : memref<12800000xf32, #tpu.memory_space<hbm>> -> memref<4000xf32, #tpu.memory_space<hbm>>
    tpu.enqueue_dma source(%dma_start3A_17 : memref<4000xf32, #tpu.memory_space<hbm>>) target(%arg16 : memref<4000xf32, #tpu.memory_space<vmem>>) target_semaphore(%arg28 : memref<!tpu.dma_semaphore, #tpu.memory_space<semaphore_mem>>)
    %add3A_18 = arith.constant 8000 : i32
    %add3A_19 = arith.addi %mul3A_2, %add3A_18 : i32
    %dma_start3A_20 = tpu.memref_slice %arg4[%add3A_19] : memref<12800000xf32, #tpu.memory_space<hbm>> -> memref<4000xf32, #tpu.memory_space<hbm>>
    %dma_start3A_21 = tpu.memref_slice %arg4[%add3A_19] : memref<12800000xf32, #tpu.memory_space<hbm>> -> memref<4000xf32, #tpu.memory_space<hbm>>
    tpu.enqueue_dma source(%dma_start3A_21 : memref<4000xf32, #tpu.memory_space<hbm>>) target(%arg9 : memref<4000xf32, #tpu.memory_space<vmem>>) target_semaphore(%arg29 : memref<!tpu.dma_semaphore, #tpu.memory_space<semaphore_mem>>)
    %dma_start3A_22 = tpu.memref_slice %arg2[%add3A_19] : memref<12800000xf32, #tpu.memory_space<hbm>> -> memref<4000xf32, #tpu.memory_space<hbm>>
    %dma_start3A_23 = tpu.memref_slice %arg2[%add3A_19] : memref<12800000xf32, #tpu.memory_space<hbm>> -> memref<4000xf32, #tpu.memory_space<hbm>>
    tpu.enqueue_dma source(%dma_start3A_23 : memref<4000xf32, #tpu.memory_space<hbm>>) target(%arg13 : memref<4000xf32, #tpu.memory_space<vmem>>) target_semaphore(%arg29 : memref<!tpu.dma_semaphore, #tpu.memory_space<semaphore_mem>>)
    %dma_start3A_24 = tpu.memref_slice %arg3[%add3A_19] : memref<12800000xf32, #tpu.memory_space<hbm>> -> memref<4000xf32, #tpu.memory_space<hbm>>
    %dma_start3A_25 = tpu.memref_slice %arg3[%add3A_19] : memref<12800000xf32, #tpu.memory_space<hbm>> -> memref<4000xf32, #tpu.memory_space<hbm>>
    tpu.enqueue_dma source(%dma_start3A_25 : memref<4000xf32, #tpu.memory_space<hbm>>) target(%arg17 : memref<4000xf32, #tpu.memory_space<vmem>>) target_semaphore(%arg29 : memref<!tpu.dma_semaphore, #tpu.memory_space<semaphore_mem>>)
    %add3A_26 = arith.constant 12000 : i32
    %add3A_27 = arith.addi %mul3A_2, %add3A_26 : i32
    %dma_start3A_28 = tpu.memref_slice %arg4[%add3A_27] : memref<12800000xf32, #tpu.memory_space<hbm>> -> memref<4000xf32, #tpu.memory_space<hbm>>
    %dma_start3A_29 = tpu.memref_slice %arg4[%add3A_27] : memref<12800000xf32, #tpu.memory_space<hbm>> -> memref<4000xf32, #tpu.memory_space<hbm>>
    tpu.enqueue_dma source(%dma_start3A_29 : memref<4000xf32, #tpu.memory_space<hbm>>) target(%arg10 : memref<4000xf32, #tpu.memory_space<vmem>>) target_semaphore(%arg30 : memref<!tpu.dma_semaphore, #tpu.memory_space<semaphore_mem>>)
    %dma_start3A_30 = tpu.memref_slice %arg2[%add3A_27] : memref<12800000xf32, #tpu.memory_space<hbm>> -> memref<4000xf32, #tpu.memory_space<hbm>>
    %dma_start3A_31 = tpu.memref_slice %arg2[%add3A_27] : memref<12800000xf32, #tpu.memory_space<hbm>> -> memref<4000xf32, #tpu.memory_space<hbm>>
    tpu.enqueue_dma source(%dma_start3A_31 : memref<4000xf32, #tpu.memory_space<hbm>>) target(%arg14 : memref<4000xf32, #tpu.memory_space<vmem>>) target_semaphore(%arg30 : memref<!tpu.dma_semaphore, #tpu.memory_space<semaphore_mem>>)
    %dma_start3A_32 = tpu.memref_slice %arg3[%add3A_27] : memref<12800000xf32, #tpu.memory_space<hbm>> -> memref<4000xf32, #tpu.memory_space<hbm>>
    %dma_start3A_33 = tpu.memref_slice %arg3[%add3A_27] : memref<12800000xf32, #tpu.memory_space<hbm>> -> memref<4000xf32, #tpu.memory_space<hbm>>
    tpu.enqueue_dma source(%dma_start3A_33 : memref<4000xf32, #tpu.memory_space<hbm>>) target(%arg18 : memref<4000xf32, #tpu.memory_space<vmem>>) target_semaphore(%arg30 : memref<!tpu.dma_semaphore, #tpu.memory_space<semaphore_mem>>)
    %scan3A = arith.constant 0 : i32
    %scan3A_34 = arith.constant 25 : i32
    %scan3A_35 = arith.addi %scan3A, %scan3A_34 : i32
    %scan3A_36 = arith.constant 1 : i32
    scf.for %scan3A_69 = %scan3A to %scan3A_35 step %scan3A_36  : i32 {
      %mul3A_70 = arith.constant 4 : i32
      %mul3A_71 = arith.muli %scan3A_69, %mul3A_70 : i32
      %add3A_72 = arith.constant 0 : i32
      %add3A_73 = arith.addi %add3A_72, %mul3A_71 : i32
      %add3A_74 = arith.constant 0 : i32
      %add3A_75 = arith.addi %add3A_73, %add3A_74 : i32
      %dma_wait3A_76 = arith.constant 0 : i32
      %dma_wait3A_77 = tpu.memref_slice %arg4[%dma_wait3A_76] : memref<12800000xf32, #tpu.memory_space<hbm>> -> memref<4000xf32, #tpu.memory_space<hbm>>
      %dma_wait3A_78 = arith.constant 0 : i32
      %dma_wait3A_79 = tpu.memref_slice %arg4[%dma_wait3A_78] : memref<12800000xf32, #tpu.memory_space<hbm>> -> memref<4000xf32, #tpu.memory_space<hbm>>
      tpu.wait_dma2 semaphore(%arg27 : memref<!tpu.dma_semaphore, #tpu.memory_space<semaphore_mem>>) src(%dma_wait3A_79 : memref<4000xf32, #tpu.memory_space<hbm>>) dst(%arg7 : memref<4000xf32, #tpu.memory_space<vmem>>)
      %dma_wait3A_80 = arith.constant 0 : i32
      %dma_wait3A_81 = tpu.memref_slice %arg2[%dma_wait3A_80] : memref<12800000xf32, #tpu.memory_space<hbm>> -> memref<4000xf32, #tpu.memory_space<hbm>>
      %dma_wait3A_82 = arith.constant 0 : i32
      %dma_wait3A_83 = tpu.memref_slice %arg2[%dma_wait3A_82] : memref<12800000xf32, #tpu.memory_space<hbm>> -> memref<4000xf32, #tpu.memory_space<hbm>>
      tpu.wait_dma2 semaphore(%arg27 : memref<!tpu.dma_semaphore, #tpu.memory_space<semaphore_mem>>) src(%dma_wait3A_83 : memref<4000xf32, #tpu.memory_space<hbm>>) dst(%arg11 : memref<4000xf32, #tpu.memory_space<vmem>>)
      %dma_wait3A_84 = arith.constant 0 : i32
      %dma_wait3A_85 = tpu.memref_slice %arg3[%dma_wait3A_84] : memref<12800000xf32, #tpu.memory_space<hbm>> -> memref<4000xf32, #tpu.memory_space<hbm>>
      %dma_wait3A_86 = arith.constant 0 : i32
      %dma_wait3A_87 = tpu.memref_slice %arg3[%dma_wait3A_86] : memref<12800000xf32, #tpu.memory_space<hbm>> -> memref<4000xf32, #tpu.memory_space<hbm>>
      tpu.wait_dma2 semaphore(%arg27 : memref<!tpu.dma_semaphore, #tpu.memory_space<semaphore_mem>>) src(%dma_wait3A_87 : memref<4000xf32, #tpu.memory_space<hbm>>) dst(%arg15 : memref<4000xf32, #tpu.memory_space<vmem>>)
      %ge3A = arith.constant 4 : i32
      %ge3A_88 = arith.cmpi sge, %add3A_75, %ge3A : i32
      %convert_element_type3A = arith.extui %ge3A_88 : i1 to i32
      %cond3A = arith.constant 0 : i32
      %cond3A_89 = arith.cmpi ne, %convert_element_type3A, %cond3A : i32
      scf.if %cond3A_89 {
        %dma_wait3A_202 = arith.constant 0 : i32
        %dma_wait3A_203 = tpu.memref_slice %arg5[%dma_wait3A_202] : memref<12800000xf32, #tpu.memory_space<hbm>> -> memref<4000xf32, #tpu.memory_space<hbm>>
        %dma_wait3A_204 = arith.constant 0 : i32
        %dma_wait3A_205 = tpu.memref_slice %arg5[%dma_wait3A_204] : memref<12800000xf32, #tpu.memory_space<hbm>> -> memref<4000xf32, #tpu.memory_space<hbm>>
        tpu.wait_dma2 semaphore(%arg31 : memref<!tpu.dma_semaphore, #tpu.memory_space<semaphore_mem>>) src(%arg23 : memref<4000xf32, #tpu.memory_space<vmem>>) dst(%dma_wait3A_205 : memref<4000xf32, #tpu.memory_space<hbm>>)
        %dma_wait3A_206 = arith.constant 0 : i32
        %dma_wait3A_207 = tpu.memref_slice %arg6[%dma_wait3A_206] : memref<12800000xf32, #tpu.memory_space<hbm>> -> memref<4000xf32, #tpu.memory_space<hbm>>
        %dma_wait3A_208 = arith.constant 0 : i32
        %dma_wait3A_209 = tpu.memref_slice %arg6[%dma_wait3A_208] : memref<12800000xf32, #tpu.memory_space<hbm>> -> memref<4000xf32, #tpu.memory_space<hbm>>
        tpu.wait_dma2 semaphore(%arg31 : memref<!tpu.dma_semaphore, #tpu.memory_space<semaphore_mem>>) src(%arg19 : memref<4000xf32, #tpu.memory_space<vmem>>) dst(%dma_wait3A_209 : memref<4000xf32, #tpu.memory_space<hbm>>)
      } else {
      }
      %mul3A_90 = arith.constant 4000 : i32
      %mul3A_91 = arith.muli %add3A_75, %mul3A_90 : i32
      %add3A_92 = arith.addi %mul3A_2, %mul3A_91 : i32
      %dma_start3A_93 = tpu.memref_slice %arg5[%add3A_92] : memref<12800000xf32, #tpu.memory_space<hbm>> -> memref<4000xf32, #tpu.memory_space<hbm>>
      %dma_start3A_94 = tpu.memref_slice %arg5[%add3A_92] : memref<12800000xf32, #tpu.memory_space<hbm>> -> memref<4000xf32, #tpu.memory_space<hbm>>
      tpu.enqueue_dma source(%arg11 : memref<4000xf32, #tpu.memory_space<vmem>>) target(%dma_start3A_94 : memref<4000xf32, #tpu.memory_space<hbm>>) target_semaphore(%arg31 : memref<!tpu.dma_semaphore, #tpu.memory_space<semaphore_mem>>)
      %dma_start3A_95 = tpu.memref_slice %arg6[%add3A_92] : memref<12800000xf32, #tpu.memory_space<hbm>> -> memref<4000xf32, #tpu.memory_space<hbm>>
      %dma_start3A_96 = tpu.memref_slice %arg6[%add3A_92] : memref<12800000xf32, #tpu.memory_space<hbm>> -> memref<4000xf32, #tpu.memory_space<hbm>>
      tpu.enqueue_dma source(%arg7 : memref<4000xf32, #tpu.memory_space<vmem>>) target(%dma_start3A_96 : memref<4000xf32, #tpu.memory_space<hbm>>) target_semaphore(%arg31 : memref<!tpu.dma_semaphore, #tpu.memory_space<semaphore_mem>>)
      %add3A_97 = arith.constant 4 : i32
      %add3A_98 = arith.addi %add3A_75, %add3A_97 : i32
      %lt3A = arith.constant 100 : i32
      %lt3A_99 = arith.cmpi slt, %add3A_98, %lt3A : i32
      %convert_element_type3A_100 = arith.extui %lt3A_99 : i1 to i32
      %cond3A_101 = arith.constant 0 : i32
      %cond3A_102 = arith.cmpi ne, %convert_element_type3A_100, %cond3A_101 : i32
      scf.if %cond3A_102 {
        %add3A_202 = arith.constant 4 : i32
        %add3A_203 = arith.addi %add3A_75, %add3A_202 : i32
        %mul3A_204 = arith.constant 4000 : i32
        %mul3A_205 = arith.muli %add3A_203, %mul3A_204 : i32
        %add3A_206 = arith.addi %mul3A_2, %mul3A_205 : i32
        %dma_start3A_207 = tpu.memref_slice %arg4[%add3A_206] : memref<12800000xf32, #tpu.memory_space<hbm>> -> memref<4000xf32, #tpu.memory_space<hbm>>
        %dma_start3A_208 = tpu.memref_slice %arg4[%add3A_206] : memref<12800000xf32, #tpu.memory_space<hbm>> -> memref<4000xf32, #tpu.memory_space<hbm>>
        tpu.enqueue_dma source(%dma_start3A_208 : memref<4000xf32, #tpu.memory_space<hbm>>) target(%arg7 : memref<4000xf32, #tpu.memory_space<vmem>>) target_semaphore(%arg27 : memref<!tpu.dma_semaphore, #tpu.memory_space<semaphore_mem>>)
        %dma_start3A_209 = tpu.memref_slice %arg2[%add3A_206] : memref<12800000xf32, #tpu.memory_space<hbm>> -> memref<4000xf32, #tpu.memory_space<hbm>>
        %dma_start3A_210 = tpu.memref_slice %arg2[%add3A_206] : memref<12800000xf32, #tpu.memory_space<hbm>> -> memref<4000xf32, #tpu.memory_space<hbm>>
        tpu.enqueue_dma source(%dma_start3A_210 : memref<4000xf32, #tpu.memory_space<hbm>>) target(%arg11 : memref<4000xf32, #tpu.memory_space<vmem>>) target_semaphore(%arg27 : memref<!tpu.dma_semaphore, #tpu.memory_space<semaphore_mem>>)
        %dma_start3A_211 = tpu.memref_slice %arg3[%add3A_206] : memref<12800000xf32, #tpu.memory_space<hbm>> -> memref<4000xf32, #tpu.memory_space<hbm>>
        %dma_start3A_212 = tpu.memref_slice %arg3[%add3A_206] : memref<12800000xf32, #tpu.memory_space<hbm>> -> memref<4000xf32, #tpu.memory_space<hbm>>
        tpu.enqueue_dma source(%dma_start3A_212 : memref<4000xf32, #tpu.memory_space<hbm>>) target(%arg15 : memref<4000xf32, #tpu.memory_space<vmem>>) target_semaphore(%arg27 : memref<!tpu.dma_semaphore, #tpu.memory_space<semaphore_mem>>)
      } else {
      }
      %add3A_103 = arith.constant 1 : i32
      %add3A_104 = arith.addi %add3A_73, %add3A_103 : i32
      %dma_wait3A_105 = arith.constant 0 : i32
      %dma_wait3A_106 = tpu.memref_slice %arg4[%dma_wait3A_105] : memref<12800000xf32, #tpu.memory_space<hbm>> -> memref<4000xf32, #tpu.memory_space<hbm>>
      %dma_wait3A_107 = arith.constant 0 : i32
      %dma_wait3A_108 = tpu.memref_slice %arg4[%dma_wait3A_107] : memref<12800000xf32, #tpu.memory_space<hbm>> -> memref<4000xf32, #tpu.memory_space<hbm>>
      tpu.wait_dma2 semaphore(%arg28 : memref<!tpu.dma_semaphore, #tpu.memory_space<semaphore_mem>>) src(%dma_wait3A_108 : memref<4000xf32, #tpu.memory_space<hbm>>) dst(%arg8 : memref<4000xf32, #tpu.memory_space<vmem>>)
      %dma_wait3A_109 = arith.constant 0 : i32
      %dma_wait3A_110 = tpu.memref_slice %arg2[%dma_wait3A_109] : memref<12800000xf32, #tpu.memory_space<hbm>> -> memref<4000xf32, #tpu.memory_space<hbm>>
      %dma_wait3A_111 = arith.constant 0 : i32
      %dma_wait3A_112 = tpu.memref_slice %arg2[%dma_wait3A_111] : memref<12800000xf32, #tpu.memory_space<hbm>> -> memref<4000xf32, #tpu.memory_space<hbm>>
      tpu.wait_dma2 semaphore(%arg28 : memref<!tpu.dma_semaphore, #tpu.memory_space<semaphore_mem>>) src(%dma_wait3A_112 : memref<4000xf32, #tpu.memory_space<hbm>>) dst(%arg12 : memref<4000xf32, #tpu.memory_space<vmem>>)
      %dma_wait3A_113 = arith.constant 0 : i32
      %dma_wait3A_114 = tpu.memref_slice %arg3[%dma_wait3A_113] : memref<12800000xf32, #tpu.memory_space<hbm>> -> memref<4000xf32, #tpu.memory_space<hbm>>
      %dma_wait3A_115 = arith.constant 0 : i32
      %dma_wait3A_116 = tpu.memref_slice %arg3[%dma_wait3A_115] : memref<12800000xf32, #tpu.memory_space<hbm>> -> memref<4000xf32, #tpu.memory_space<hbm>>
      tpu.wait_dma2 semaphore(%arg28 : memref<!tpu.dma_semaphore, #tpu.memory_space<semaphore_mem>>) src(%dma_wait3A_116 : memref<4000xf32, #tpu.memory_space<hbm>>) dst(%arg16 : memref<4000xf32, #tpu.memory_space<vmem>>)
      %ge3A_117 = arith.constant 4 : i32
      %ge3A_118 = arith.cmpi sge, %add3A_104, %ge3A_117 : i32
      %convert_element_type3A_119 = arith.extui %ge3A_118 : i1 to i32
      %cond3A_120 = arith.constant 0 : i32
      %cond3A_121 = arith.cmpi ne, %convert_element_type3A_119, %cond3A_120 : i32
      scf.if %cond3A_121 {
        %dma_wait3A_202 = arith.constant 0 : i32
        %dma_wait3A_203 = tpu.memref_slice %arg5[%dma_wait3A_202] : memref<12800000xf32, #tpu.memory_space<hbm>> -> memref<4000xf32, #tpu.memory_space<hbm>>
        %dma_wait3A_204 = arith.constant 0 : i32
        %dma_wait3A_205 = tpu.memref_slice %arg5[%dma_wait3A_204] : memref<12800000xf32, #tpu.memory_space<hbm>> -> memref<4000xf32, #tpu.memory_space<hbm>>
        tpu.wait_dma2 semaphore(%arg32 : memref<!tpu.dma_semaphore, #tpu.memory_space<semaphore_mem>>) src(%arg24 : memref<4000xf32, #tpu.memory_space<vmem>>) dst(%dma_wait3A_205 : memref<4000xf32, #tpu.memory_space<hbm>>)
        %dma_wait3A_206 = arith.constant 0 : i32
        %dma_wait3A_207 = tpu.memref_slice %arg6[%dma_wait3A_206] : memref<12800000xf32, #tpu.memory_space<hbm>> -> memref<4000xf32, #tpu.memory_space<hbm>>
        %dma_wait3A_208 = arith.constant 0 : i32
        %dma_wait3A_209 = tpu.memref_slice %arg6[%dma_wait3A_208] : memref<12800000xf32, #tpu.memory_space<hbm>> -> memref<4000xf32, #tpu.memory_space<hbm>>
        tpu.wait_dma2 semaphore(%arg32 : memref<!tpu.dma_semaphore, #tpu.memory_space<semaphore_mem>>) src(%arg20 : memref<4000xf32, #tpu.memory_space<vmem>>) dst(%dma_wait3A_209 : memref<4000xf32, #tpu.memory_space<hbm>>)
      } else {
      }
      %mul3A_122 = arith.constant 4000 : i32
      %mul3A_123 = arith.muli %add3A_104, %mul3A_122 : i32
      %add3A_124 = arith.addi %mul3A_2, %mul3A_123 : i32
      %dma_start3A_125 = tpu.memref_slice %arg5[%add3A_124] : memref<12800000xf32, #tpu.memory_space<hbm>> -> memref<4000xf32, #tpu.memory_space<hbm>>
      %dma_start3A_126 = tpu.memref_slice %arg5[%add3A_124] : memref<12800000xf32, #tpu.memory_space<hbm>> -> memref<4000xf32, #tpu.memory_space<hbm>>
      tpu.enqueue_dma source(%arg12 : memref<4000xf32, #tpu.memory_space<vmem>>) target(%dma_start3A_126 : memref<4000xf32, #tpu.memory_space<hbm>>) target_semaphore(%arg32 : memref<!tpu.dma_semaphore, #tpu.memory_space<semaphore_mem>>)
      %dma_start3A_127 = tpu.memref_slice %arg6[%add3A_124] : memref<12800000xf32, #tpu.memory_space<hbm>> -> memref<4000xf32, #tpu.memory_space<hbm>>
      %dma_start3A_128 = tpu.memref_slice %arg6[%add3A_124] : memref<12800000xf32, #tpu.memory_space<hbm>> -> memref<4000xf32, #tpu.memory_space<hbm>>
      tpu.enqueue_dma source(%arg8 : memref<4000xf32, #tpu.memory_space<vmem>>) target(%dma_start3A_128 : memref<4000xf32, #tpu.memory_space<hbm>>) target_semaphore(%arg32 : memref<!tpu.dma_semaphore, #tpu.memory_space<semaphore_mem>>)
      %add3A_129 = arith.constant 4 : i32
      %add3A_130 = arith.addi %add3A_104, %add3A_129 : i32
      %lt3A_131 = arith.constant 100 : i32
      %lt3A_132 = arith.cmpi slt, %add3A_130, %lt3A_131 : i32
      %convert_element_type3A_133 = arith.extui %lt3A_132 : i1 to i32
      %cond3A_134 = arith.constant 0 : i32
      %cond3A_135 = arith.cmpi ne, %convert_element_type3A_133, %cond3A_134 : i32
      scf.if %cond3A_135 {
        %add3A_202 = arith.constant 4 : i32
        %add3A_203 = arith.addi %add3A_104, %add3A_202 : i32
        %mul3A_204 = arith.constant 4000 : i32
        %mul3A_205 = arith.muli %add3A_203, %mul3A_204 : i32
        %add3A_206 = arith.addi %mul3A_2, %mul3A_205 : i32
        %dma_start3A_207 = tpu.memref_slice %arg4[%add3A_206] : memref<12800000xf32, #tpu.memory_space<hbm>> -> memref<4000xf32, #tpu.memory_space<hbm>>
        %dma_start3A_208 = tpu.memref_slice %arg4[%add3A_206] : memref<12800000xf32, #tpu.memory_space<hbm>> -> memref<4000xf32, #tpu.memory_space<hbm>>
        tpu.enqueue_dma source(%dma_start3A_208 : memref<4000xf32, #tpu.memory_space<hbm>>) target(%arg8 : memref<4000xf32, #tpu.memory_space<vmem>>) target_semaphore(%arg28 : memref<!tpu.dma_semaphore, #tpu.memory_space<semaphore_mem>>)
        %dma_start3A_209 = tpu.memref_slice %arg2[%add3A_206] : memref<12800000xf32, #tpu.memory_space<hbm>> -> memref<4000xf32, #tpu.memory_space<hbm>>
        %dma_start3A_210 = tpu.memref_slice %arg2[%add3A_206] : memref<12800000xf32, #tpu.memory_space<hbm>> -> memref<4000xf32, #tpu.memory_space<hbm>>
        tpu.enqueue_dma source(%dma_start3A_210 : memref<4000xf32, #tpu.memory_space<hbm>>) target(%arg12 : memref<4000xf32, #tpu.memory_space<vmem>>) target_semaphore(%arg28 : memref<!tpu.dma_semaphore, #tpu.memory_space<semaphore_mem>>)
        %dma_start3A_211 = tpu.memref_slice %arg3[%add3A_206] : memref<12800000xf32, #tpu.memory_space<hbm>> -> memref<4000xf32, #tpu.memory_space<hbm>>
        %dma_start3A_212 = tpu.memref_slice %arg3[%add3A_206] : memref<12800000xf32, #tpu.memory_space<hbm>> -> memref<4000xf32, #tpu.memory_space<hbm>>
        tpu.enqueue_dma source(%dma_start3A_212 : memref<4000xf32, #tpu.memory_space<hbm>>) target(%arg16 : memref<4000xf32, #tpu.memory_space<vmem>>) target_semaphore(%arg28 : memref<!tpu.dma_semaphore, #tpu.memory_space<semaphore_mem>>)
      } else {
      }
      %add3A_136 = arith.constant 2 : i32
      %add3A_137 = arith.addi %add3A_73, %add3A_136 : i32
      %dma_wait3A_138 = arith.constant 0 : i32
      %dma_wait3A_139 = tpu.memref_slice %arg4[%dma_wait3A_138] : memref<12800000xf32, #tpu.memory_space<hbm>> -> memref<4000xf32, #tpu.memory_space<hbm>>
      %dma_wait3A_140 = arith.constant 0 : i32
      %dma_wait3A_141 = tpu.memref_slice %arg4[%dma_wait3A_140] : memref<12800000xf32, #tpu.memory_space<hbm>> -> memref<4000xf32, #tpu.memory_space<hbm>>
      tpu.wait_dma2 semaphore(%arg29 : memref<!tpu.dma_semaphore, #tpu.memory_space<semaphore_mem>>) src(%dma_wait3A_141 : memref<4000xf32, #tpu.memory_space<hbm>>) dst(%arg9 : memref<4000xf32, #tpu.memory_space<vmem>>)
      %dma_wait3A_142 = arith.constant 0 : i32
      %dma_wait3A_143 = tpu.memref_slice %arg2[%dma_wait3A_142] : memref<12800000xf32, #tpu.memory_space<hbm>> -> memref<4000xf32, #tpu.memory_space<hbm>>
      %dma_wait3A_144 = arith.constant 0 : i32
      %dma_wait3A_145 = tpu.memref_slice %arg2[%dma_wait3A_144] : memref<12800000xf32, #tpu.memory_space<hbm>> -> memref<4000xf32, #tpu.memory_space<hbm>>
      tpu.wait_dma2 semaphore(%arg29 : memref<!tpu.dma_semaphore, #tpu.memory_space<semaphore_mem>>) src(%dma_wait3A_145 : memref<4000xf32, #tpu.memory_space<hbm>>) dst(%arg13 : memref<4000xf32, #tpu.memory_space<vmem>>)
      %dma_wait3A_146 = arith.constant 0 : i32
      %dma_wait3A_147 = tpu.memref_slice %arg3[%dma_wait3A_146] : memref<12800000xf32, #tpu.memory_space<hbm>> -> memref<4000xf32, #tpu.memory_space<hbm>>
      %dma_wait3A_148 = arith.constant 0 : i32
      %dma_wait3A_149 = tpu.memref_slice %arg3[%dma_wait3A_148] : memref<12800000xf32, #tpu.memory_space<hbm>> -> memref<4000xf32, #tpu.memory_space<hbm>>
      tpu.wait_dma2 semaphore(%arg29 : memref<!tpu.dma_semaphore, #tpu.memory_space<semaphore_mem>>) src(%dma_wait3A_149 : memref<4000xf32, #tpu.memory_space<hbm>>) dst(%arg17 : memref<4000xf32, #tpu.memory_space<vmem>>)
      %ge3A_150 = arith.constant 4 : i32
      %ge3A_151 = arith.cmpi sge, %add3A_137, %ge3A_150 : i32
      %convert_element_type3A_152 = arith.extui %ge3A_151 : i1 to i32
      %cond3A_153 = arith.constant 0 : i32
      %cond3A_154 = arith.cmpi ne, %convert_element_type3A_152, %cond3A_153 : i32
      scf.if %cond3A_154 {
        %dma_wait3A_202 = arith.constant 0 : i32
        %dma_wait3A_203 = tpu.memref_slice %arg5[%dma_wait3A_202] : memref<12800000xf32, #tpu.memory_space<hbm>> -> memref<4000xf32, #tpu.memory_space<hbm>>
        %dma_wait3A_204 = arith.constant 0 : i32
        %dma_wait3A_205 = tpu.memref_slice %arg5[%dma_wait3A_204] : memref<12800000xf32, #tpu.memory_space<hbm>> -> memref<4000xf32, #tpu.memory_space<hbm>>
        tpu.wait_dma2 semaphore(%arg33 : memref<!tpu.dma_semaphore, #tpu.memory_space<semaphore_mem>>) src(%arg25 : memref<4000xf32, #tpu.memory_space<vmem>>) dst(%dma_wait3A_205 : memref<4000xf32, #tpu.memory_space<hbm>>)
        %dma_wait3A_206 = arith.constant 0 : i32
        %dma_wait3A_207 = tpu.memref_slice %arg6[%dma_wait3A_206] : memref<12800000xf32, #tpu.memory_space<hbm>> -> memref<4000xf32, #tpu.memory_space<hbm>>
        %dma_wait3A_208 = arith.constant 0 : i32
        %dma_wait3A_209 = tpu.memref_slice %arg6[%dma_wait3A_208] : memref<12800000xf32, #tpu.memory_space<hbm>> -> memref<4000xf32, #tpu.memory_space<hbm>>
        tpu.wait_dma2 semaphore(%arg33 : memref<!tpu.dma_semaphore, #tpu.memory_space<semaphore_mem>>) src(%arg21 : memref<4000xf32, #tpu.memory_space<vmem>>) dst(%dma_wait3A_209 : memref<4000xf32, #tpu.memory_space<hbm>>)
      } else {
      }
      %mul3A_155 = arith.constant 4000 : i32
      %mul3A_156 = arith.muli %add3A_137, %mul3A_155 : i32
      %add3A_157 = arith.addi %mul3A_2, %mul3A_156 : i32
      %dma_start3A_158 = tpu.memref_slice %arg5[%add3A_157] : memref<12800000xf32, #tpu.memory_space<hbm>> -> memref<4000xf32, #tpu.memory_space<hbm>>
      %dma_start3A_159 = tpu.memref_slice %arg5[%add3A_157] : memref<12800000xf32, #tpu.memory_space<hbm>> -> memref<4000xf32, #tpu.memory_space<hbm>>
      tpu.enqueue_dma source(%arg13 : memref<4000xf32, #tpu.memory_space<vmem>>) target(%dma_start3A_159 : memref<4000xf32, #tpu.memory_space<hbm>>) target_semaphore(%arg33 : memref<!tpu.dma_semaphore, #tpu.memory_space<semaphore_mem>>)
      %dma_start3A_160 = tpu.memref_slice %arg6[%add3A_157] : memref<12800000xf32, #tpu.memory_space<hbm>> -> memref<4000xf32, #tpu.memory_space<hbm>>
      %dma_start3A_161 = tpu.memref_slice %arg6[%add3A_157] : memref<12800000xf32, #tpu.memory_space<hbm>> -> memref<4000xf32, #tpu.memory_space<hbm>>
      tpu.enqueue_dma source(%arg9 : memref<4000xf32, #tpu.memory_space<vmem>>) target(%dma_start3A_161 : memref<4000xf32, #tpu.memory_space<hbm>>) target_semaphore(%arg33 : memref<!tpu.dma_semaphore, #tpu.memory_space<semaphore_mem>>)
      %add3A_162 = arith.constant 4 : i32
      %add3A_163 = arith.addi %add3A_137, %add3A_162 : i32
      %lt3A_164 = arith.constant 100 : i32
      %lt3A_165 = arith.cmpi slt, %add3A_163, %lt3A_164 : i32
      %convert_element_type3A_166 = arith.extui %lt3A_165 : i1 to i32
      %cond3A_167 = arith.constant 0 : i32
      %cond3A_168 = arith.cmpi ne, %convert_element_type3A_166, %cond3A_167 : i32
      scf.if %cond3A_168 {
        %add3A_202 = arith.constant 4 : i32
        %add3A_203 = arith.addi %add3A_137, %add3A_202 : i32
        %mul3A_204 = arith.constant 4000 : i32
        %mul3A_205 = arith.muli %add3A_203, %mul3A_204 : i32
        %add3A_206 = arith.addi %mul3A_2, %mul3A_205 : i32
        %dma_start3A_207 = tpu.memref_slice %arg4[%add3A_206] : memref<12800000xf32, #tpu.memory_space<hbm>> -> memref<4000xf32, #tpu.memory_space<hbm>>
        %dma_start3A_208 = tpu.memref_slice %arg4[%add3A_206] : memref<12800000xf32, #tpu.memory_space<hbm>> -> memref<4000xf32, #tpu.memory_space<hbm>>
        tpu.enqueue_dma source(%dma_start3A_208 : memref<4000xf32, #tpu.memory_space<hbm>>) target(%arg9 : memref<4000xf32, #tpu.memory_space<vmem>>) target_semaphore(%arg29 : memref<!tpu.dma_semaphore, #tpu.memory_space<semaphore_mem>>)
        %dma_start3A_209 = tpu.memref_slice %arg2[%add3A_206] : memref<12800000xf32, #tpu.memory_space<hbm>> -> memref<4000xf32, #tpu.memory_space<hbm>>
        %dma_start3A_210 = tpu.memref_slice %arg2[%add3A_206] : memref<12800000xf32, #tpu.memory_space<hbm>> -> memref<4000xf32, #tpu.memory_space<hbm>>
        tpu.enqueue_dma source(%dma_start3A_210 : memref<4000xf32, #tpu.memory_space<hbm>>) target(%arg13 : memref<4000xf32, #tpu.memory_space<vmem>>) target_semaphore(%arg29 : memref<!tpu.dma_semaphore, #tpu.memory_space<semaphore_mem>>)
        %dma_start3A_211 = tpu.memref_slice %arg3[%add3A_206] : memref<12800000xf32, #tpu.memory_space<hbm>> -> memref<4000xf32, #tpu.memory_space<hbm>>
        %dma_start3A_212 = tpu.memref_slice %arg3[%add3A_206] : memref<12800000xf32, #tpu.memory_space<hbm>> -> memref<4000xf32, #tpu.memory_space<hbm>>
        tpu.enqueue_dma source(%dma_start3A_212 : memref<4000xf32, #tpu.memory_space<hbm>>) target(%arg17 : memref<4000xf32, #tpu.memory_space<vmem>>) target_semaphore(%arg29 : memref<!tpu.dma_semaphore, #tpu.memory_space<semaphore_mem>>)
      } else {
      }
      %add3A_169 = arith.constant 3 : i32
      %add3A_170 = arith.addi %add3A_73, %add3A_169 : i32
      %dma_wait3A_171 = arith.constant 0 : i32
      %dma_wait3A_172 = tpu.memref_slice %arg4[%dma_wait3A_171] : memref<12800000xf32, #tpu.memory_space<hbm>> -> memref<4000xf32, #tpu.memory_space<hbm>>
      %dma_wait3A_173 = arith.constant 0 : i32
      %dma_wait3A_174 = tpu.memref_slice %arg4[%dma_wait3A_173] : memref<12800000xf32, #tpu.memory_space<hbm>> -> memref<4000xf32, #tpu.memory_space<hbm>>
      tpu.wait_dma2 semaphore(%arg30 : memref<!tpu.dma_semaphore, #tpu.memory_space<semaphore_mem>>) src(%dma_wait3A_174 : memref<4000xf32, #tpu.memory_space<hbm>>) dst(%arg10 : memref<4000xf32, #tpu.memory_space<vmem>>)
      %dma_wait3A_175 = arith.constant 0 : i32
      %dma_wait3A_176 = tpu.memref_slice %arg2[%dma_wait3A_175] : memref<12800000xf32, #tpu.memory_space<hbm>> -> memref<4000xf32, #tpu.memory_space<hbm>>
      %dma_wait3A_177 = arith.constant 0 : i32
      %dma_wait3A_178 = tpu.memref_slice %arg2[%dma_wait3A_177] : memref<12800000xf32, #tpu.memory_space<hbm>> -> memref<4000xf32, #tpu.memory_space<hbm>>
      tpu.wait_dma2 semaphore(%arg30 : memref<!tpu.dma_semaphore, #tpu.memory_space<semaphore_mem>>) src(%dma_wait3A_178 : memref<4000xf32, #tpu.memory_space<hbm>>) dst(%arg14 : memref<4000xf32, #tpu.memory_space<vmem>>)
      %dma_wait3A_179 = arith.constant 0 : i32
      %dma_wait3A_180 = tpu.memref_slice %arg3[%dma_wait3A_179] : memref<12800000xf32, #tpu.memory_space<hbm>> -> memref<4000xf32, #tpu.memory_space<hbm>>
      %dma_wait3A_181 = arith.constant 0 : i32
      %dma_wait3A_182 = tpu.memref_slice %arg3[%dma_wait3A_181] : memref<12800000xf32, #tpu.memory_space<hbm>> -> memref<4000xf32, #tpu.memory_space<hbm>>
      tpu.wait_dma2 semaphore(%arg30 : memref<!tpu.dma_semaphore, #tpu.memory_space<semaphore_mem>>) src(%dma_wait3A_182 : memref<4000xf32, #tpu.memory_space<hbm>>) dst(%arg18 : memref<4000xf32, #tpu.memory_space<vmem>>)
      %ge3A_183 = arith.constant 4 : i32
      %ge3A_184 = arith.cmpi sge, %add3A_170, %ge3A_183 : i32
      %convert_element_type3A_185 = arith.extui %ge3A_184 : i1 to i32
      %cond3A_186 = arith.constant 0 : i32
      %cond3A_187 = arith.cmpi ne, %convert_element_type3A_185, %cond3A_186 : i32
      scf.if %cond3A_187 {
        %dma_wait3A_202 = arith.constant 0 : i32
        %dma_wait3A_203 = tpu.memref_slice %arg5[%dma_wait3A_202] : memref<12800000xf32, #tpu.memory_space<hbm>> -> memref<4000xf32, #tpu.memory_space<hbm>>
        %dma_wait3A_204 = arith.constant 0 : i32
        %dma_wait3A_205 = tpu.memref_slice %arg5[%dma_wait3A_204] : memref<12800000xf32, #tpu.memory_space<hbm>> -> memref<4000xf32, #tpu.memory_space<hbm>>
        tpu.wait_dma2 semaphore(%arg34 : memref<!tpu.dma_semaphore, #tpu.memory_space<semaphore_mem>>) src(%arg26 : memref<4000xf32, #tpu.memory_space<vmem>>) dst(%dma_wait3A_205 : memref<4000xf32, #tpu.memory_space<hbm>>)
        %dma_wait3A_206 = arith.constant 0 : i32
        %dma_wait3A_207 = tpu.memref_slice %arg6[%dma_wait3A_206] : memref<12800000xf32, #tpu.memory_space<hbm>> -> memref<4000xf32, #tpu.memory_space<hbm>>
        %dma_wait3A_208 = arith.constant 0 : i32
        %dma_wait3A_209 = tpu.memref_slice %arg6[%dma_wait3A_208] : memref<12800000xf32, #tpu.memory_space<hbm>> -> memref<4000xf32, #tpu.memory_space<hbm>>
        tpu.wait_dma2 semaphore(%arg34 : memref<!tpu.dma_semaphore, #tpu.memory_space<semaphore_mem>>) src(%arg22 : memref<4000xf32, #tpu.memory_space<vmem>>) dst(%dma_wait3A_209 : memref<4000xf32, #tpu.memory_space<hbm>>)
      } else {
      }
      %mul3A_188 = arith.constant 4000 : i32
      %mul3A_189 = arith.muli %add3A_170, %mul3A_188 : i32
      %add3A_190 = arith.addi %mul3A_2, %mul3A_189 : i32
      %dma_start3A_191 = tpu.memref_slice %arg5[%add3A_190] : memref<12800000xf32, #tpu.memory_space<hbm>> -> memref<4000xf32, #tpu.memory_space<hbm>>
      %dma_start3A_192 = tpu.memref_slice %arg5[%add3A_190] : memref<12800000xf32, #tpu.memory_space<hbm>> -> memref<4000xf32, #tpu.memory_space<hbm>>
      tpu.enqueue_dma source(%arg14 : memref<4000xf32, #tpu.memory_space<vmem>>) target(%dma_start3A_192 : memref<4000xf32, #tpu.memory_space<hbm>>) target_semaphore(%arg34 : memref<!tpu.dma_semaphore, #tpu.memory_space<semaphore_mem>>)
      %dma_start3A_193 = tpu.memref_slice %arg6[%add3A_190] : memref<12800000xf32, #tpu.memory_space<hbm>> -> memref<4000xf32, #tpu.memory_space<hbm>>
      %dma_start3A_194 = tpu.memref_slice %arg6[%add3A_190] : memref<12800000xf32, #tpu.memory_space<hbm>> -> memref<4000xf32, #tpu.memory_space<hbm>>
      tpu.enqueue_dma source(%arg10 : memref<4000xf32, #tpu.memory_space<vmem>>) target(%dma_start3A_194 : memref<4000xf32, #tpu.memory_space<hbm>>) target_semaphore(%arg34 : memref<!tpu.dma_semaphore, #tpu.memory_space<semaphore_mem>>)
      %add3A_195 = arith.constant 4 : i32
      %add3A_196 = arith.addi %add3A_170, %add3A_195 : i32
      %lt3A_197 = arith.constant 100 : i32
      %lt3A_198 = arith.cmpi slt, %add3A_196, %lt3A_197 : i32
      %convert_element_type3A_199 = arith.extui %lt3A_198 : i1 to i32
      %cond3A_200 = arith.constant 0 : i32
      %cond3A_201 = arith.cmpi ne, %convert_element_type3A_199, %cond3A_200 : i32
      scf.if %cond3A_201 {
        %add3A_202 = arith.constant 4 : i32
        %add3A_203 = arith.addi %add3A_170, %add3A_202 : i32
        %mul3A_204 = arith.constant 4000 : i32
        %mul3A_205 = arith.muli %add3A_203, %mul3A_204 : i32
        %add3A_206 = arith.addi %mul3A_2, %mul3A_205 : i32
        %dma_start3A_207 = tpu.memref_slice %arg4[%add3A_206] : memref<12800000xf32, #tpu.memory_space<hbm>> -> memref<4000xf32, #tpu.memory_space<hbm>>
        %dma_start3A_208 = tpu.memref_slice %arg4[%add3A_206] : memref<12800000xf32, #tpu.memory_space<hbm>> -> memref<4000xf32, #tpu.memory_space<hbm>>
        tpu.enqueue_dma source(%dma_start3A_208 : memref<4000xf32, #tpu.memory_space<hbm>>) target(%arg10 : memref<4000xf32, #tpu.memory_space<vmem>>) target_semaphore(%arg30 : memref<!tpu.dma_semaphore, #tpu.memory_space<semaphore_mem>>)
        %dma_start3A_209 = tpu.memref_slice %arg2[%add3A_206] : memref<12800000xf32, #tpu.memory_space<hbm>> -> memref<4000xf32, #tpu.memory_space<hbm>>
        %dma_start3A_210 = tpu.memref_slice %arg2[%add3A_206] : memref<12800000xf32, #tpu.memory_space<hbm>> -> memref<4000xf32, #tpu.memory_space<hbm>>
        tpu.enqueue_dma source(%dma_start3A_210 : memref<4000xf32, #tpu.memory_space<hbm>>) target(%arg14 : memref<4000xf32, #tpu.memory_space<vmem>>) target_semaphore(%arg30 : memref<!tpu.dma_semaphore, #tpu.memory_space<semaphore_mem>>)
        %dma_start3A_211 = tpu.memref_slice %arg3[%add3A_206] : memref<12800000xf32, #tpu.memory_space<hbm>> -> memref<4000xf32, #tpu.memory_space<hbm>>
        %dma_start3A_212 = tpu.memref_slice %arg3[%add3A_206] : memref<12800000xf32, #tpu.memory_space<hbm>> -> memref<4000xf32, #tpu.memory_space<hbm>>
        tpu.enqueue_dma source(%dma_start3A_212 : memref<4000xf32, #tpu.memory_space<hbm>>) target(%arg18 : memref<4000xf32, #tpu.memory_space<vmem>>) target_semaphore(%arg30 : memref<!tpu.dma_semaphore, #tpu.memory_space<semaphore_mem>>)
      } else {
      }
    }
    %scan3A_37 = arith.constant 25 : i32
    %dma_wait3A = arith.constant 0 : i32
    %dma_wait3A_38 = tpu.memref_slice %arg5[%dma_wait3A] : memref<12800000xf32, #tpu.memory_space<hbm>> -> memref<4000xf32, #tpu.memory_space<hbm>>
    %dma_wait3A_39 = arith.constant 0 : i32
    %dma_wait3A_40 = tpu.memref_slice %arg5[%dma_wait3A_39] : memref<12800000xf32, #tpu.memory_space<hbm>> -> memref<4000xf32, #tpu.memory_space<hbm>>
    tpu.wait_dma2 semaphore(%arg31 : memref<!tpu.dma_semaphore, #tpu.memory_space<semaphore_mem>>) src(%arg23 : memref<4000xf32, #tpu.memory_space<vmem>>) dst(%dma_wait3A_40 : memref<4000xf32, #tpu.memory_space<hbm>>)
    %dma_wait3A_41 = arith.constant 0 : i32
    %dma_wait3A_42 = tpu.memref_slice %arg6[%dma_wait3A_41] : memref<12800000xf32, #tpu.memory_space<hbm>> -> memref<4000xf32, #tpu.memory_space<hbm>>
    %dma_wait3A_43 = arith.constant 0 : i32
    %dma_wait3A_44 = tpu.memref_slice %arg6[%dma_wait3A_43] : memref<12800000xf32, #tpu.memory_space<hbm>> -> memref<4000xf32, #tpu.memory_space<hbm>>
    tpu.wait_dma2 semaphore(%arg31 : memref<!tpu.dma_semaphore, #tpu.memory_space<semaphore_mem>>) src(%arg19 : memref<4000xf32, #tpu.memory_space<vmem>>) dst(%dma_wait3A_44 : memref<4000xf32, #tpu.memory_space<hbm>>)
    %dma_wait3A_45 = arith.constant 0 : i32
    %dma_wait3A_46 = tpu.memref_slice %arg5[%dma_wait3A_45] : memref<12800000xf32, #tpu.memory_space<hbm>> -> memref<4000xf32, #tpu.memory_space<hbm>>
    %dma_wait3A_47 = arith.constant 0 : i32
    %dma_wait3A_48 = tpu.memref_slice %arg5[%dma_wait3A_47] : memref<12800000xf32, #tpu.memory_space<hbm>> -> memref<4000xf32, #tpu.memory_space<hbm>>
    tpu.wait_dma2 semaphore(%arg32 : memref<!tpu.dma_semaphore, #tpu.memory_space<semaphore_mem>>) src(%arg24 : memref<4000xf32, #tpu.memory_space<vmem>>) dst(%dma_wait3A_48 : memref<4000xf32, #tpu.memory_space<hbm>>)
    %dma_wait3A_49 = arith.constant 0 : i32
    %dma_wait3A_50 = tpu.memref_slice %arg6[%dma_wait3A_49] : memref<12800000xf32, #tpu.memory_space<hbm>> -> memref<4000xf32, #tpu.memory_space<hbm>>
    %dma_wait3A_51 = arith.constant 0 : i32
    %dma_wait3A_52 = tpu.memref_slice %arg6[%dma_wait3A_51] : memref<12800000xf32, #tpu.memory_space<hbm>> -> memref<4000xf32, #tpu.memory_space<hbm>>
    tpu.wait_dma2 semaphore(%arg32 : memref<!tpu.dma_semaphore, #tpu.memory_space<semaphore_mem>>) src(%arg20 : memref<4000xf32, #tpu.memory_space<vmem>>) dst(%dma_wait3A_52 : memref<4000xf32, #tpu.memory_space<hbm>>)
    %dma_wait3A_53 = arith.constant 0 : i32
    %dma_wait3A_54 = tpu.memref_slice %arg5[%dma_wait3A_53] : memref<12800000xf32, #tpu.memory_space<hbm>> -> memref<4000xf32, #tpu.memory_space<hbm>>
    %dma_wait3A_55 = arith.constant 0 : i32
    %dma_wait3A_56 = tpu.memref_slice %arg5[%dma_wait3A_55] : memref<12800000xf32, #tpu.memory_space<hbm>> -> memref<4000xf32, #tpu.memory_space<hbm>>
    tpu.wait_dma2 semaphore(%arg33 : memref<!tpu.dma_semaphore, #tpu.memory_space<semaphore_mem>>) src(%arg25 : memref<4000xf32, #tpu.memory_space<vmem>>) dst(%dma_wait3A_56 : memref<4000xf32, #tpu.memory_space<hbm>>)
    %dma_wait3A_57 = arith.constant 0 : i32
    %dma_wait3A_58 = tpu.memref_slice %arg6[%dma_wait3A_57] : memref<12800000xf32, #tpu.memory_space<hbm>> -> memref<4000xf32, #tpu.memory_space<hbm>>
    %dma_wait3A_59 = arith.constant 0 : i32
    %dma_wait3A_60 = tpu.memref_slice %arg6[%dma_wait3A_59] : memref<12800000xf32, #tpu.memory_space<hbm>> -> memref<4000xf32, #tpu.memory_space<hbm>>
    tpu.wait_dma2 semaphore(%arg33 : memref<!tpu.dma_semaphore, #tpu.memory_space<semaphore_mem>>) src(%arg21 : memref<4000xf32, #tpu.memory_space<vmem>>) dst(%dma_wait3A_60 : memref<4000xf32, #tpu.memory_space<hbm>>)
    %dma_wait3A_61 = arith.constant 0 : i32
    %dma_wait3A_62 = tpu.memref_slice %arg5[%dma_wait3A_61] : memref<12800000xf32, #tpu.memory_space<hbm>> -> memref<4000xf32, #tpu.memory_space<hbm>>
    %dma_wait3A_63 = arith.constant 0 : i32
    %dma_wait3A_64 = tpu.memref_slice %arg5[%dma_wait3A_63] : memref<12800000xf32, #tpu.memory_space<hbm>> -> memref<4000xf32, #tpu.memory_space<hbm>>
    tpu.wait_dma2 semaphore(%arg34 : memref<!tpu.dma_semaphore, #tpu.memory_space<semaphore_mem>>) src(%arg26 : memref<4000xf32, #tpu.memory_space<vmem>>) dst(%dma_wait3A_64 : memref<4000xf32, #tpu.memory_space<hbm>>)
    %dma_wait3A_65 = arith.constant 0 : i32
    %dma_wait3A_66 = tpu.memref_slice %arg6[%dma_wait3A_65] : memref<12800000xf32, #tpu.memory_space<hbm>> -> memref<4000xf32, #tpu.memory_space<hbm>>
    %dma_wait3A_67 = arith.constant 0 : i32
    %dma_wait3A_68 = tpu.memref_slice %arg6[%dma_wait3A_67] : memref<12800000xf32, #tpu.memory_space<hbm>> -> memref<4000xf32, #tpu.memory_space<hbm>>
    tpu.wait_dma2 semaphore(%arg34 : memref<!tpu.dma_semaphore, #tpu.memory_space<semaphore_mem>>) src(%arg22 : memref<4000xf32, #tpu.memory_space<vmem>>) dst(%dma_wait3A_68 : memref<4000xf32, #tpu.memory_space<hbm>>)
    return
  }
}

</mosaic_0001>

<sc_bundles>
// kernel: _gating.3.cloned.1.call-start
scs
__scs_entry_jumppad:
0x0: {  	(pc) =	sbr.rel $0x88, $3  }
0x1: {  	(tag) =	ssettag $0x0;
	lr =	simm.s32 $0x1  }
0x2: {  	[smem:$0x3F9E] =	sst lr;
	_ =	strace $0xD0000000  }
0x3: {  	_ = 	snop  }
0x4: {  	_ = 	snop  }
0x5: {  	_ = 	snop  }
0x6: {  	_ = 	snop  }
0x7: {  	_ = 	snop  }
__scs_overlays_trampoline_lowered:
0x8: {  	[smem:$0x3FAD] =	sst s0  }
0x9: {  	[smem:$0x3FAE] =	sst s1  }
0xa: {  	[smem:$0x3FAF] =	sst s2  }
0xb: {  	[smem:$0x3FB0] =	sst s3  }
0xc: {  	[smem:$0x3FB1] =	sst s4  }
0xd: {  	[smem:$0x3FB2] =	sst s5  }
0xe: {  	[smem:$0x3FB3] =	sst s6  }
0xf: {  	[smem:$0x3FB4] =	sst s7  }
0x10: {  	[smem:$0x3FB5] =	sst s8  }
0x11: {  	[smem:$0x3FB6] =	sst s9;
	s0 =	simm.s32 @!p0 $0x0  }
0x12: {  	s1 =	sld [smem:$0x3F9C];
	s0 =	simm.s32 @p0 $0x1  }
0x13: {  	[smem:$0x3FB7] =	sst s0;
	s0 =	simm.s32 @!p1 $0x0  }
0x14: {  	s2 =	sld [smem:$0x3F9B];
	s0 =	simm.s32 @p1 $0x1  }
0x15: {  	[smem:$0x3FB8] =	sst s0;
	s0 =	simm.s32 @!p2 $0x0  }
0x16: {  	s3 =	sld [smem:$0x3FDB];
	s0 =	simm.s32 @p2 $0x1  }
0x17: {  	s4 =	simm.s32 $0x1BF5;
	[smem:$0x3FBA] =	sst s0  }
0x18: {  	s0 =	sld [smem:$0x3F9D];
	_ =	swait.ge [sflag:s4], $0x0  }
0x19: {  	s7 =	sld [smem:$0x3F9E]  }
0x1a: {  	s8 =	sadd.s32 $0xFFFFE003, lr  }
0x1b: {  	s9 =	sadd.s32 $0xFFFFFEF7, lr;
	s5 =	simm.s32 $0xFFFFFFFF;
	p2 =	slt.u32 s8, $0xFFFFF086  }
0x1c: {  	p1 =	slt.u32 s9, $0xF7A;
	s5 =	simm.s32 @!p2 $0x0  }
0x1d: {  	s5 =	simm.s32 @p1 $0x1;
	p0 =	seq.s32 s7, s2  }
0x1e: {  	s7 =	smul.u32 @!p0 $0xF7A, s2;
	p2 =	seq.s32 @!p0 s5, $0x0  }
0x1f: {  	s9 =	smul.u32 $0xF7A, s1;
	s8 =	simm.s32 @!p0 $0x1BF5;
	p2 =	por !p2, p0  }
0x20: {  	[sflag:s8] =	ssyncset.s32 @!p0 $0xFFFFF086;
	s6 =	sadd.s32 @!p0 s3, s7;
	s7 =	simm.s32 @!p0 $0x108  }
0x21: {  	s3 =	sadd.s32 s3, s9;
	s6 =	sadd.s32 @!p0 $0x88, s6;
	s7 =	simm.s32 @p2 $0x1082  }
0x22: {  	[simem:s7], [sflag:s8] =	dma.local @!p0 [hbm:s6], $0xF7A  }
0x23: {  	s9 =	sor.u32 $0xD0000000, s2;
	s6 =	simm.s32 $0x108;
	_ =	swait.ge @!p0 [sflag:s8], $0x0  }
0x24: {  	s3 =	sadd.s32 $0x88, s3;
	s6 =	simm.s32 @!p1 $0x1082;
	[sflag:s4] =	ssyncset.s32 $0xFFFFF086  }
0x25: {  	[simem:s6], [sflag:s4] =	dma.local [hbm:s3], $0xF7A  }
0x26: {  	[smem:$0x3F9E] =	sst s1;
	(tag) =	ssettag s2;
	_ =	strace s9  }
0x27: {  	s1 =	sld [smem:$0x3FAE]  }
0x28: {  	s2 =	sld [smem:$0x3FAF]  }
0x29: {  	s4 =	sld [smem:$0x3FB1]  }
0x2a: {  	p0 =	seq.s32 s5, $0x0;
	s5 =	sld [smem:$0x3FB2]  }
0x2b: {  	s6 =	sld [smem:$0x3FB3]  }
0x2c: {  	s7 =	sld [smem:$0x3FB4]  }
0x2d: {  	s3 =	simm.s32 $0x108;
	s8 =	sld [smem:$0x3FB5]  }
0x2e: {  	s3 =	simm.s32 @!p0 $0x1082;
	s9 =	sld [smem:$0x3FB6]  }
0x2f: {  	lr =	sadd.s32 s0, s3;
	s0 =	sld [smem:$0x3FAD]  }
0x30: {  	s3 =	sld [smem:$0x3FB0]  }
0x31: {  	[smem:$0x3FB9] =	sst s10  }
0x32: {  	s10 =	sld [smem:$0x3FB7];
	_ =	sdelay $0x3  }
0x33: {  	p0 =	seq.s32 s10, $0x1;
	s10 =	sld [smem:$0x3FB9];
	_ =	sdelay $0x3  }
0x34: {  	[smem:$0x3FB9] =	sst s10  }
0x35: {  	s10 =	sld [smem:$0x3FB8];
	_ =	sdelay $0x3  }
0x36: {  	p1 =	seq.s32 s10, $0x1;
	s10 =	sld [smem:$0x3FB9];
	_ =	sdelay $0x3  }
0x37: {  	[smem:$0x3FB9] =	sst s10  }
0x38: {  	s10 =	sld [smem:$0x3FBA]  }
0x39: {  	_ = 	snop;
	(pc) =	sbr.ind lr, $3  }
0x3a: {  	_ = 	snop  }
0x3b: {  	_ = 	snop  }
0x3c: {  	p2 =	seq.s32 s10, $0x1;
	s10 =	sld [smem:$0x3FB9]  }
0x3d: {  	_ =	shalt  }
0x3e: {  	_ =	shalt  }
0x3f: {  	_ =	shalt  }
0x40: {  	_ =	shalt  }
0x41: {  	_ =	shalt  }
0x42: {  	_ =	shalt  }
0x43: {  	_ =	shalt  }
0x44: {  	_ =	shalt  }
0x45: {  	_ =	shalt  }
0x46: {  	_ =	shalt  }
0x47: {  	_ =	shalt  }
0x48: {  	_ =	shalt  }
0x49: {  	_ =	shalt  }
0x4a: {  	_ =	shalt  }
0x4b: {  	_ =	shalt  }
0x4c: {  	_ =	shalt  }
0x4d: {  	_ =	shalt  }
0x4e: {  	_ =	shalt  }
0x4f: {  	_ =	shalt  }
0x50: {  	_ =	shalt  }
0x51: {  	_ =	shalt  }
0x52: {  	_ =	shalt  }
0x53: {  	_ =	shalt  }
0x54: {  	_ =	shalt  }
0x55: {  	_ =	shalt  }
0x56: {  	_ =	shalt  }
0x57: {  	_ =	shalt  }
0x58: {  	_ =	shalt  }
0x59: {  	_ =	shalt  }
0x5a: {  	_ =	shalt  }
0x5b: {  	_ =	shalt  }
0x5c: {  	_ =	shalt  }
0x5d: {  	_ =	shalt  }
0x5e: {  	_ =	shalt  }
0x5f: {  	_ =	shalt  }
0x60: {  	_ =	shalt  }
0x61: {  	_ =	shalt  }
0x62: {  	_ =	shalt  }
0x63: {  	_ =	shalt  }
0x64: {  	_ =	shalt  }
0x65: {  	_ =	shalt  }
0x66: {  	_ =	shalt  }
0x67: {  	_ =	shalt  }
0x68: {  	_ =	shalt  }
0x69: {  	_ =	shalt  }
0x6a: {  	_ =	shalt  }
0x6b: {  	_ =	shalt  }
0x6c: {  	_ =	shalt  }
0x6d: {  	_ =	shalt  }
0x6e: {  	_ =	shalt  }
0x6f: {  	_ =	shalt  }
0x70: {  	_ =	shalt  }
0x71: {  	_ =	shalt  }
0x72: {  	_ =	shalt  }
0x73: {  	_ =	shalt  }
0x74: {  	_ =	shalt  }
0x75: {  	_ =	shalt  }
0x76: {  	_ =	shalt  }
0x77: {  	_ =	shalt  }
0x78: {  	_ =	shalt  }
0x79: {  	_ =	shalt  }
0x7a: {  	_ =	shalt  }
0x7b: {  	_ =	shalt  }
0x7c: {  	_ =	shalt  }
0x7d: {  	_ =	shalt  }
0x7e: {  	_ =	shalt  }
0x7f: {  	_ =	shalt  }
0x80: {  	_ =	shalt  }
0x81: {  	_ =	shalt  }
0x82: {  	_ =	shalt  }
0x83: {  	_ =	shalt  }
0x84: {  	_ =	shalt  }
0x85: {  	_ =	shalt  }
0x86: {  	_ =	shalt  }
0x87: {  	_ =	shalt  }
.Lfunc_end0:
.L_simem_size_0:
called_computation_lowered:
.L_overlay_start_0:
0x88: {  	s2 =	sld [smem:$0x3FD9]  }
0x89: {  	s3 =	sld [smem:$0x3FFE];
	_ =	sdelay $0x1  }
0x8a: {  	s1 =	srdreg.scid  }
0x8b: {  	s0 =	sand.u32 $0x1, s1  }
0x8c: {  	s15 =	sshll.u32 s0, $0xA;
	s2 =	sadd.s32 s3, s2  }
0x8d: {  	s2 =	sadd.s32 s2, s15  }
0x8e: {  	[smem:$0x3FC5] =	sst s2  }
0x8f: {  	_ = 	snop  }
0x90: {  	s2 =	sld [smem:$0x3FD0]  }
0x91: {  	s16 =	sld [smem:$0x3FC9]  }
0x92: {  	s4 =	sld [smem:$0x3FC8]  }
0x93: {  	s6 =	simm.s32 $0xA;
	s7 =	simm.s32 $0x10;
	s5 =	sld [smem:$0x3FC7]  }
0x94: {  	[smem:s7], [sflag:s6] =	dma.local [hbm:s2], $0x1  }
0x95: {  	_ =	swait.eq [sflag:s6], $0x1  }
0x96: {  	[sflag:s6] =	ssyncset.done $0x0  }
0x97: {  	s17 =	sld [smem:$0x10];
	[sflag:s6] =	ssyncadd.s32 $0xFFFFFFFF  }
0x98: {  	s18 =	sld [smem:$0x11];
	(tm) =	ssettm $0x1  }
0x99: {  	s19 =	sld [smem:$0x3FFB];
	_ =	sdelay $0x3  }
0x9a: {  	_ =	strace s19  }
0x9b: {  	s7 =	sld [smem:$0x3FFC];
	_ =	sdelay $0x3  }
0x9c: {  	_ =	strace s7  }
0x9d: {  	s7 =	sld [smem:$0x3FFD];
	_ =	sdelay $0x3  }
0x9e: {  	_ =	strace s7  }
0x9f: {  	_ =	strace $0x8FFFFFFF  }
0xa0: {  	s20 =	sld [smem:$0x3FDB];
	_ =	sdelay $0x1  }
0xa1: {  	s8 =	simm.s32 $_scs_section_size  }
0xa2: {  	s9 =	simm.s32 $_size__tile_overlayer_lowered;
	s10 =	simm.s32 $_tile_overlayer_lowered  }
0xa3: {  	s23 =	simm.s32 $0x1BFF;
	s22 =	sshll.u32 s10, $0x1;
	s7 =	sadd.s32 s8, s20  }
0xa4: {  	s11 =	simm.s32 $0x0;
	s21 =	sshll.u32 s9, $0x1;
	s9 =	sadd.s32 s22, s7  }
0xa5: {  	[timem:s11], [sflag:s23] =	dma.local [hbm:s9], s21  }
0xa6: {  	_ =	swait.ge [sflag:s23], s21  }
0xa7: {  	s8 =	ssub.s32 $0x0, s21;
	[sflag:s23] =	ssyncset.done $0x0  }
0xa8: {  	[sflag:s23] =	ssyncadd.s32 s8;
	_ =	sdelay $0x1  }
0xa9: {  	s24 =	simm.s32 $0x1B8B  }
0xaa: {  	_ =	swait.ge [sflag:s24], $0x1  }
0xab: {  	[sflag:s24] =	ssyncset.done $0x0  }
0xac: {  	s25 =	simm.s32 $0x1B8E;
	[sflag:s24] =	ssyncadd.s32 $0xFFFFFFFF  }
0xad: {  	s26 =	simm.s32 $execute0_lowered;
	[smem:$0x3FD2] =	sst s25  }
0xae: {  	s8 =	sshll.u32 s26, $0x1;
	_ =	strace $0x80000046;
	[dreg:$0x1] =	wrdreg $0xFFFFFFFF  }
0xaf: {  	s28 =	simm.s32 $_size_execute0_lowered;
	s7 =	sadd.s32 s7, s8;
	[dreg:$0x0] =	wrdreg $0x0  }
0xb0: {  	s8 =	sshll.u32 s28, $0x1;
	[dreg:$0x2] =	wrdreg s7  }
0xb1: {  	[dreg:$0x3] =	wrdreg s8  }
0xb2: {  	[dreg:$0x4] =	wrdreg $0xC0  }
0xb3: {  	_ =	task [dreg:s11], $0x5FFFF  }
0xb4: {  	[dreg:$0x1] =	wrdreg $0xFFFFFFFF  }
0xb5: {  	[dreg:$0x0] =	wrdreg $0x60  }
0xb6: {  	[dreg:$0x2] =	wrdreg s16  }
0xb7: {  	[dreg:$0x3] =	wrdreg s4  }
0xb8: {  	[dreg:$0x4] =	wrdreg s5  }
0xb9: {  	[dreg:$0x5] =	wrdreg s17  }
0xba: {  	[dreg:$0x6] =	wrdreg s18  }
0xbb: {  	[dreg:$0x7] =	wrdreg $0x9  }
0xbc: {  	_ =	task.clear_ibuf [dreg:s11], $0x8FFFF;
	_ =	strace $0x90000046  }
0xbd: {  	s29 =	simm.s32 $0x9;
	_ =	strace $0x80000048  }
0xbe: {  	_ =	swait.ge [sflag:s29], $0x1  }
0xbf: {  	[sflag:s29] =	ssyncadd.s32 $0xFFFFFFFF  }
0xc0: {  	_ =	strace $0x90000048  }
0xc1: {  	_ =	sfence  }
0xc2: {  	s30 =	sld [smem:$0x0];
	_ =	sdelay $0x2  }
0xc3: {  	s31 =	sshll.u32 s1, $0xD;
	s1 =	sshrl.u32 s1, $0x2  }
0xc4: {  	s3 =	sand.u32 $0x4000, s31;
	s1 =	sadd.s32 s1, s30  }
0xc5: {  	s0 =	sor.u32 s3, s0;
	s1 =	sshll.u32 s1, $0x11  }
0xc6: {  	s0 =	sor.u32 s1, s0  }
0xc7: {  	s0 =	sadd.s32 $0x8F2B, s0  }
0xc8: {  	[sflag:s0] =	ssyncadd.remote.s32 $0x1  }
0xc9: {  	_ =	sfence.sel $0xFFFF  }
0xca: {  	[dreg:$0x0] =	wrdreg $0xFFFFFFFF;
	(pc) =	sbr.abs _section_cstart, $3  }
0xcb: {  	[dreg:$0x1] =	wrdreg $0xFFFFFFFF  }
0xcc: {  	_ =	task.clear_ibuf [dreg:s11], $0x2FFFF;
	_ =	strace $0x9FFFFFFF  }
0xcd: {  	(tm) =	ssettm $0x7FFFFFFF  }
tec
execute0_lowered:
.L_overlay_start_1:
0x0: {  	(tag) =	ssettag $0x1  }
0x1: {  	s10 =	rddreg [dreg:$0x0]  }
0x2: {  	s11 =	rddreg [dreg:$0x1]  }
0x3: {  	s12 =	rddreg [dreg:$0x2]  }
0x4: {  	s0 =	rddreg [dreg:$0x3];
	s1 =	srdreg.scid  }
0x5: {  	s7 =	stileid.u32;
	s2 =	rddreg [dreg:$0x4];
	s5 =	simm.s32 $0x0  }
0x6: {  	s1 =	sand.u32 $0x1, s1;
	s3 =	sshll.u32 s7, $0x1;
	s15 =	smul.u32 $0xC3500, s7  }
0x7: {  	s3 =	sor.u32 s1, s3;
	s4 =	ssub.s32 $0x2, s1;
	s1 =	smul.u32 $0x61A80, s1  }
0x8: {  	[smem:$0x7FF] =	sst s5;
	s3 =	smul.u32 $0x61A80, s3  }
0x9: {  	_ =	strace $0x80000047;
	s6 =	sshrl.u32 s4, $0x1;
	s9 =	sadd.s32 s1, s15  }
0xa: {  	s4 =	ssub.s32 s4, s6;
	s3 =	sshrl.u32 s3, $0x3;
	s23 =	sadd.s32 $0x2EE0, s9  }
0xb: {  	s6 =	sadd.s32 $0x1F40, s9;
	s24 =	sadd.s32 $0xFA0, s9;
	s26 =	sshrl.u32 s9, $0x3  }
0xc: {  	s16 =	sadd.s32 s12, s3;
	s17 =	sadd.s32 $0x1F4, s3;
	s8 =	sadd.s32 s10, s3  }
0xd: {  	s18 =	sadd.s32 s11, s3;
	s1 =	sshrl.u32 s23, $0x3;
	[dreg:$0x6] =	wrdreg s16  }
0xe: {  	s6 =	sshrl.u32 s6, $0x3;
	s25 =	sshrl.u32 s24, $0x3;
	[dreg:$0x7] =	wrdreg s8  }
0xf: {  	s23 =	smax.u32 s4, $0x1;
	s24 =	sadd.s32 $0x5DC0, s9;
	[dreg:$0x8] =	wrdreg s18  }
0x10: {  	s19 =	sadd.s32 s12, s17;
	s20 =	sadd.s32 s10, s17;
	s8 =	sadd.s32 $0x3E8, s3  }
0x11: {  	s21 =	sadd.s32 s11, s17;
	s3 =	sadd.s32 $0x5DC, s3;
	s13 =	sadd.s32 s1, s2  }
0x12: {  	s14 =	sadd.s32 s1, s0;
	s15 =	sadd.s32 s6, s2;
	[dreg:$0x12] =	wrdreg s23  }
0x13: {  	s16 =	sadd.s32 s6, s0;
	s17 =	sadd.s32 s25, s2;
	[dreg:$0x9] =	wrdreg s19  }
0x14: {  	s18 =	sadd.s32 s25, s0;
	s1 =	sshrl.u32 s24, $0x3;
	[dreg:$0xa] =	wrdreg s20  }
0x15: {  	s25 =	sadd.s32 $0x4E20, s9;
	[dreg:$0xb] =	wrdreg s21;
	s22 =	sadd.s32 s12, s8  }
0x16: {  	s19 =	sadd.s32 s26, s2;
	s2 =	sadd.s32 s10, s8;
	[dreg:$0xc] =	wrdreg s22  }
0x17: {  	s23 =	simm.s32 $0x3000;
	s6 =	sadd.s32 s11, s8;
	[dreg:$0xd] =	wrdreg s2  }
0x18: {  	s24 =	simm.s32 $0x7000;
	s7 =	sadd.s32 s12, s3;
	[dreg:$0xe] =	wrdreg s6  }
0x19: {  	s20 =	sadd.s32 s26, s0;
	s8 =	sadd.s32 s10, s3;
	[dreg:$0xf] =	wrdreg s7  }
0x1a: {  	s21 =	sadd.s32 s11, s3;
	s31 =	sadd.s32 s1, s11;
	[dreg:$0x10] =	wrdreg s8  }
0x1b: {  	s4 =	sadd.s32 s1, s10;
	s26 =	sadd.s32 $0x3E80, s9;
	[dreg:$0x11] =	wrdreg s21  }
0x1c: {  	s1 =	sadd.s32 s1, s12;
	s22 =	sadd.s32 $0x6D60, s9;
	[dreg:$0x13] =	wrdreg s26  }
.Ltmp0:
0x1d: {  	s26 =	simm.s32 $0x1;
	s0 =	sshrl.u32 s22, $0x3;
	(pc) =	sbr.rel .LBB2_1-.Ltmp0, $4  }
0x1e: {  	s9 =	simm.s32 $0x2;
	s2 =	simm.s32 $0x4;
	s28 =	sadd.s32 s0, s11  }
0x1f: {  	s29 =	sadd.s32 s0, s10;
	s30 =	sadd.s32 s0, s12;
	s0 =	sshrl.u32 s25, $0x3  }
0x20: {  	s22 =	simm.s32 $0x6000;
	s6 =	sadd.s32 s0, s11;
	s7 =	sadd.s32 s0, s10  }
0x21: {  	s8 =	sadd.s32 s0, s12;
	s0 =	simm.s32 $0x3;
	s11 =	simm.s32 $0x0  }
.LBB2_4:
0x22: {  	s3 =	simm.s32 $0x5  }
0x23: {  	_ =	swait.ge [sflag:s3], $0xFA0  }
0x24: {  	[sflag:s3] =	ssyncset.done $0x0  }
0x25: {  	[sflag:s3] =	ssyncadd.s32 $0xFFFFF060  }
0x26: {  	_ =	swait.ge [sflag:s3], $0xFA0  }
0x27: {  	[sflag:s3] =	ssyncset.done $0x0  }
0x28: {  	s12 =	simm.s32 $0x6;
	[sflag:s3] =	ssyncadd.s32 $0xFFFFF060  }
0x29: {  	_ =	swait.ge [sflag:s12], $0xFA0  }
0x2a: {  	[sflag:s12] =	ssyncset.done $0x0  }
0x2b: {  	[sflag:s12] =	ssyncadd.s32 $0xFFFFF060  }
0x2c: {  	_ =	swait.ge [sflag:s12], $0xFA0  }
0x2d: {  	[sflag:s12] =	ssyncset.done $0x0  }
0x2e: {  	s21 =	simm.s32 $0x7;
	[sflag:s12] =	ssyncadd.s32 $0xFFFFF060  }
0x2f: {  	_ =	swait.ge [sflag:s21], $0xFA0  }
0x30: {  	[sflag:s21] =	ssyncset.done $0x0  }
0x31: {  	[sflag:s21] =	ssyncadd.s32 $0xFFFFF060  }
0x32: {  	_ =	swait.ge [sflag:s21], $0xFA0  }
0x33: {  	[sflag:s21] =	ssyncset.done $0x0  }
0x34: {  	s10 =	simm.s32 $0x8;
	[sflag:s21] =	ssyncadd.s32 $0xFFFFF060  }
0x35: {  	_ =	swait.ge [sflag:s10], $0xFA0  }
0x36: {  	[sflag:s10] =	ssyncset.done $0x0  }
0x37: {  	[sflag:s10] =	ssyncadd.s32 $0xFFFFF060  }
0x38: {  	_ =	swait.ge [sflag:s10], $0xFA0  }
0x39: {  	s11 =	rddreg [dreg:$0x14]  }
0x3a: {  	s25 =	rddreg [dreg:$0x12];
	s11 =	sadd.s32 $0x1, s11  }
0x3b: {  	p0 =	sne.s32 s11, s25  }
.Ltmp1:
0x3c: {  	_ = 	snop;
	(pc) =	sbr.rel @!p0 .LBB2_5-.Ltmp1, $3  }
0x3d: {  	_ =	sdelay $0x1  }
0x3e: {  	[sflag:s10] =	ssyncset.done $0x0  }
0x3f: {  	[sflag:s10] =	ssyncadd.s32 $0xFFFFF060  }
.LBB2_1:
0x40: {  	[dreg:$0x14] =	wrdreg s11  }
0x41: {  	s3 =	rddreg [dreg:$0x6]  }
0x42: {  	s25 =	rddreg [dreg:$0x7]  }
0x43: {  	[tilespmem:s5], [sflag:$0x1] =	stream.linear.gather [hbm4b:s3+s5], $0xFA0, $0x38;
	[tilespmem:$0xC000] =	vst v63  }
0x44: {  	s10 =	simm.s32 $0x4000;
	s11 =	rddreg [dreg:$0x8]  }
0x45: {  	[tilespmem:s10], [sflag:$0x1] =	stream.linear.gather [hbm4b:s25+s5], $0xFA0, $0x38;
	[tilespmem:$0xC000] =	vst v63  }
0x46: {  	s12 =	simm.s32 $0x8000;
	s21 =	rddreg [dreg:$0x9]  }
0x47: {  	[tilespmem:s12], [sflag:$0x1] =	stream.linear.gather [hbm4b:s11+s5], $0xFA0, $0x38;
	[tilespmem:$0xC000] =	vst v63  }
0x48: {  	s3 =	rddreg [dreg:$0x13];
	s25 =	simm.s32 $0x1000  }
0x49: {  	[tilespmem:s25], [sflag:$0x2] =	stream.linear.gather [hbm4b:s21+s5], $0xFA0, $0x38;
	[tilespmem:$0xC000] =	vst v63  }
0x4a: {  	s11 =	rddreg [dreg:$0xa];
	s12 =	simm.s32 $0x5000  }
0x4b: {  	[tilespmem:s12], [sflag:$0x2] =	stream.linear.gather [hbm4b:s11+s5], $0xFA0, $0x38;
	[tilespmem:$0xC000] =	vst v63  }
0x4c: {  	s21 =	rddreg [dreg:$0xb];
	s25 =	simm.s32 $0x9000  }
0x4d: {  	[tilespmem:s25], [sflag:$0x2] =	stream.linear.gather [hbm4b:s21+s5], $0xFA0, $0x38;
	[tilespmem:$0xC000] =	vst v63  }
0x4e: {  	s10 =	rddreg [dreg:$0xc];
	s11 =	simm.s32 $0x2000  }
0x4f: {  	[tilespmem:s11], [sflag:$0x3] =	stream.linear.gather [hbm4b:s10+s5], $0xFA0, $0x38;
	[tilespmem:$0xC000] =	vst v63  }
0x50: {  	s12 =	rddreg [dreg:$0xd]  }
0x51: {  	[tilespmem:s22], [sflag:$0x3] =	stream.linear.gather [hbm4b:s12+s5], $0xFA0, $0x38;
	[tilespmem:$0xC000] =	vst v63  }
0x52: {  	s21 =	rddreg [dreg:$0xe];
	s25 =	simm.s32 $0xA000  }
0x53: {  	[tilespmem:s25], [sflag:$0x3] =	stream.linear.gather [hbm4b:s21+s5], $0xFA0, $0x38;
	[tilespmem:$0xC000] =	vst v63  }
0x54: {  	s11 =	rddreg [dreg:$0xf]  }
0x55: {  	[tilespmem:s23], [sflag:$0x4] =	stream.linear.gather [hbm4b:s11+s5], $0xFA0, $0x38;
	[tilespmem:$0xC000] =	vst v63  }
0x56: {  	s12 =	rddreg [dreg:$0x10]  }
0x57: {  	[tilespmem:s24], [sflag:$0x4] =	stream.linear.gather [hbm4b:s12+s5], $0xFA0, $0x38;
	[tilespmem:$0xC000] =	vst v63  }
0x58: {  	s10 =	simm.s32 $0x0;
	s21 =	rddreg [dreg:$0x11];
	s25 =	simm.s32 $0xB000  }
0x59: {  	[tilespmem:s25], [sflag:$0x4] =	stream.linear.gather [hbm4b:s21+s5], $0xFA0, $0x38;
	[tilespmem:$0xC000] =	vst v63  }
.LBB2_2:
0x5a: {  	_ =	swait.ge [sflag:s26], $0xFA0  }
0x5b: {  	[sflag:s26] =	ssyncset.done $0x0  }
0x5c: {  	[sflag:s26] =	ssyncadd.s32 $0xFFFFF060  }
0x5d: {  	_ =	swait.ge [sflag:s26], $0xFA0  }
0x5e: {  	[sflag:s26] =	ssyncset.done $0x0  }
0x5f: {  	[sflag:s26] =	ssyncadd.s32 $0xFFFFF060  }
0x60: {  	_ =	swait.ge [sflag:s26], $0xFA0  }
0x61: {  	p0 =	seq.s32 s10, $0x0;
	[sflag:s26] =	ssyncset.done $0x0  }
0x62: {  	s11 =	simm.s32 @!p0 $0x5;
	[sflag:s26] =	ssyncadd.s32 $0xFFFFF060  }
0x63: {  	_ =	swait.ge @!p0 [sflag:s11], $0xFA0  }
0x64: {  	[sflag:s11] =	ssyncset.done @!p0 $0x0  }
0x65: {  	[sflag:s11] =	ssyncadd.s32 @!p0 $0xFFFFF060  }
0x66: {  	_ =	swait.ge @!p0 [sflag:s11], $0xFA0  }
0x67: {  	[sflag:s11] =	ssyncset.done @!p0 $0x0  }
0x68: {  	s25 =	sadd.s32 s10, s20;
	s12 =	simm.s32 $0x4000;
	[sflag:s11] =	ssyncadd.s32 @!p0 $0xFFFFF060  }
0x69: {  	[hbm4b:s25+s5] =	stream.linear.scatter [tilespmem:s12], [sflag:$0x5], $0xFA0, $0x38;
	[tilespmem:$0xC000] =	vst v63  }
0x6a: {  	p1 =	seq.s32 s10, $0xBB80;
	s12 =	sadd.s32 s10, s19  }
0x6b: {  	[hbm4b:s12+s5] =	stream.linear.scatter [tilespmem:s5], [sflag:$0x5], $0xFA0, $0x38;
	[tilespmem:$0xC000] =	vst v63  }
0x6c: {  	s11 =	rddreg [dreg:$0x2];
	s12 =	sshrl.u32 @!p1 s3, $0x3  }
0x6d: {  	s21 =	rddreg [dreg:$0x0];
	s25 =	sadd.s32 @!p1 s11, s12;
	s11 =	simm.s32 @!p1 $0x0  }
0x6e: {  	[tilespmem:s11], [sflag:$0x1] =	stream.linear.gather @!p1 [hbm4b:s25+s11], $0xFA0, $0x38;
	[tilespmem:$0xC000] =	vst v63  }
0x6f: {  	s25 =	sadd.s32 @!p1 s21, s12;
	s21 =	simm.s32 @!p1 $0x4000  }
0x70: {  	[tilespmem:s21], [sflag:$0x1] =	stream.linear.gather @!p1 [hbm4b:s25+s11], $0xFA0, $0x38;
	[tilespmem:$0xC000] =	vst v63  }
0x71: {  	s21 =	rddreg [dreg:$0x1]  }
0x72: {  	s12 =	sadd.s32 @!p1 s21, s12;
	s21 =	simm.s32 @!p1 $0x8000  }
0x73: {  	[tilespmem:s21], [sflag:$0x1] =	stream.linear.gather @!p1 [hbm4b:s12+s11], $0xFA0, $0x38;
	[tilespmem:$0xC000] =	vst v63  }
0x74: {  	_ =	swait.ge [sflag:s9], $0xFA0  }
0x75: {  	[sflag:s9] =	ssyncset.done $0x0  }
0x76: {  	[sflag:s9] =	ssyncadd.s32 $0xFFFFF060  }
0x77: {  	_ =	swait.ge [sflag:s9], $0xFA0  }
0x78: {  	[sflag:s9] =	ssyncset.done $0x0  }
0x79: {  	[sflag:s9] =	ssyncadd.s32 $0xFFFFF060  }
0x7a: {  	_ =	swait.ge [sflag:s9], $0xFA0  }
0x7b: {  	[sflag:s9] =	ssyncset.done $0x0  }
0x7c: {  	s12 =	simm.s32 @!p0 $0x6;
	[sflag:s9] =	ssyncadd.s32 $0xFFFFF060  }
0x7d: {  	_ =	swait.ge @!p0 [sflag:s12], $0xFA0  }
0x7e: {  	[sflag:s12] =	ssyncset.done @!p0 $0x0  }
0x7f: {  	[sflag:s12] =	ssyncadd.s32 @!p0 $0xFFFFF060  }
0x80: {  	_ =	swait.ge @!p0 [sflag:s12], $0xFA0  }
0x81: {  	[sflag:s12] =	ssyncset.done @!p0 $0x0  }
0x82: {  	s25 =	simm.s32 $0x5000;
	s21 =	sadd.s32 s10, s18;
	[sflag:s12] =	ssyncadd.s32 @!p0 $0xFFFFF060  }
0x83: {  	[hbm4b:s21+s5] =	stream.linear.scatter [tilespmem:s25], [sflag:$0x6], $0xFA0, $0x38;
	[tilespmem:$0xC000] =	vst v63  }
0x84: {  	s21 =	sadd.s32 s10, s17;
	s25 =	simm.s32 $0x1000  }
0x85: {  	[hbm4b:s21+s5] =	stream.linear.scatter [tilespmem:s25], [sflag:$0x6], $0xFA0, $0x38;
	[tilespmem:$0xC000] =	vst v63  }
0x86: {  	s12 =	sadd.s32 @!p1 s10, s8;
	s21 =	simm.s32 @!p1 $0x1000  }
0x87: {  	[tilespmem:s21], [sflag:$0x2] =	stream.linear.gather @!p1 [hbm4b:s12+s11], $0xFA0, $0x38;
	[tilespmem:$0xC000] =	vst v63  }
0x88: {  	s12 =	sadd.s32 @!p1 s10, s7;
	s21 =	simm.s32 @!p1 $0x5000  }
0x89: {  	[tilespmem:s21], [sflag:$0x2] =	stream.linear.gather @!p1 [hbm4b:s12+s11], $0xFA0, $0x38;
	[tilespmem:$0xC000] =	vst v63  }
0x8a: {  	s12 =	sadd.s32 @!p1 s10, s6;
	s21 =	simm.s32 @!p1 $0x9000  }
0x8b: {  	[tilespmem:s21], [sflag:$0x2] =	stream.linear.gather @!p1 [hbm4b:s12+s11], $0xFA0, $0x38;
	[tilespmem:$0xC000] =	vst v63  }
0x8c: {  	_ =	swait.ge [sflag:s0], $0xFA0  }
0x8d: {  	[sflag:s0] =	ssyncset.done $0x0  }
0x8e: {  	[sflag:s0] =	ssyncadd.s32 $0xFFFFF060  }
0x8f: {  	_ =	swait.ge [sflag:s0], $0xFA0  }
0x90: {  	[sflag:s0] =	ssyncset.done $0x0  }
0x91: {  	[sflag:s0] =	ssyncadd.s32 $0xFFFFF060  }
0x92: {  	_ =	swait.ge [sflag:s0], $0xFA0  }
0x93: {  	[sflag:s0] =	ssyncset.done $0x0  }
0x94: {  	s12 =	simm.s32 @!p0 $0x7;
	[sflag:s0] =	ssyncadd.s32 $0xFFFFF060  }
0x95: {  	_ =	swait.ge @!p0 [sflag:s12], $0xFA0  }
0x96: {  	[sflag:s12] =	ssyncset.done @!p0 $0x0  }
0x97: {  	[sflag:s12] =	ssyncadd.s32 @!p0 $0xFFFFF060  }
0x98: {  	_ =	swait.ge @!p0 [sflag:s12], $0xFA0  }
0x99: {  	[sflag:s12] =	ssyncset.done @!p0 $0x0  }
0x9a: {  	s25 =	sadd.s32 s10, s16;
	[sflag:s12] =	ssyncadd.s32 @!p0 $0xFFFFF060  }
0x9b: {  	[hbm4b:s25+s5] =	stream.linear.scatter [tilespmem:s22], [sflag:$0x7], $0xFA0, $0x38;
	[tilespmem:$0xC000] =	vst v63  }
0x9c: {  	s21 =	sadd.s32 s10, s15;
	s25 =	simm.s32 $0x2000  }
0x9d: {  	[hbm4b:s21+s5] =	stream.linear.scatter [tilespmem:s25], [sflag:$0x7], $0xFA0, $0x38;
	[tilespmem:$0xC000] =	vst v63  }
0x9e: {  	s12 =	sadd.s32 @!p1 s10, s1;
	s21 =	simm.s32 @!p1 $0x2000  }
0x9f: {  	[tilespmem:s21], [sflag:$0x3] =	stream.linear.gather @!p1 [hbm4b:s12+s11], $0xFA0, $0x38;
	[tilespmem:$0xC000] =	vst v63  }
0xa0: {  	s12 =	sadd.s32 @!p1 s10, s4;
	s21 =	simm.s32 @!p1 $0x6000  }
0xa1: {  	[tilespmem:s21], [sflag:$0x3] =	stream.linear.gather @!p1 [hbm4b:s12+s11], $0xFA0, $0x38;
	[tilespmem:$0xC000] =	vst v63  }
0xa2: {  	s12 =	sadd.s32 @!p1 s10, s31;
	s21 =	simm.s32 @!p1 $0xA000  }
0xa3: {  	[tilespmem:s21], [sflag:$0x3] =	stream.linear.gather @!p1 [hbm4b:s12+s11], $0xFA0, $0x38;
	[tilespmem:$0xC000] =	vst v63  }
0xa4: {  	_ =	swait.ge [sflag:s2], $0xFA0  }
0xa5: {  	[sflag:s2] =	ssyncset.done $0x0  }
0xa6: {  	[sflag:s2] =	ssyncadd.s32 $0xFFFFF060  }
0xa7: {  	_ =	swait.ge [sflag:s2], $0xFA0  }
0xa8: {  	[sflag:s2] =	ssyncset.done $0x0  }
0xa9: {  	[sflag:s2] =	ssyncadd.s32 $0xFFFFF060  }
0xaa: {  	_ =	swait.ge [sflag:s2], $0xFA0  }
0xab: {  	[sflag:s2] =	ssyncset.done $0x0  }
0xac: {  	s11 =	simm.s32 @!p0 $0x8;
	[sflag:s2] =	ssyncadd.s32 $0xFFFFF060  }
0xad: {  	_ =	swait.ge @!p0 [sflag:s11], $0xFA0  }
0xae: {  	[sflag:s11] =	ssyncset.done @!p0 $0x0  }
0xaf: {  	[sflag:s11] =	ssyncadd.s32 @!p0 $0xFFFFF060  }
0xb0: {  	_ =	swait.ge @!p0 [sflag:s11], $0xFA0  }
.Ltmp2:
0xb1: {  	[sflag:s11] =	ssyncset.done @!p0 $0x0;
	(pc) =	sbr.rel @p1 .LBB2_4-.Ltmp2, $4  }
0xb2: {  	s21 =	sadd.s32 s10, s14;
	[sflag:s11] =	ssyncadd.s32 @!p0 $0xFFFFF060  }
0xb3: {  	[hbm4b:s21+s5] =	stream.linear.scatter [tilespmem:s24], [sflag:$0x8], $0xFA0, $0x38;
	[tilespmem:$0xC000] =	vst v63  }
0xb4: {  	s25 =	sadd.s32 s10, s13  }
0xb5: {  	[hbm4b:s25+s5] =	stream.linear.scatter [tilespmem:s23], [sflag:$0x8], $0xFA0, $0x38;
	[tilespmem:$0xC000] =	vst v63  }
0xb6: {  	s11 =	sadd.s32 s10, s30  }
0xb7: {  	[tilespmem:s23], [sflag:$0x4] =	stream.linear.gather [hbm4b:s11+s5], $0xFA0, $0x38;
	[tilespmem:$0xC000] =	vst v63  }
.Ltmp3:
0xb8: {  	_ = 	snop;
	(pc) =	sbr.rel .LBB2_2-.Ltmp3, $4  }
0xb9: {  	s21 =	sadd.s32 s10, s29;
	s25 =	sadd.s32 s10, s28  }
0xba: {  	[tilespmem:s24], [sflag:$0x4] =	stream.linear.gather [hbm4b:s21+s5], $0xFA0, $0x38;
	[tilespmem:$0xC000] =	vst v63  }
0xbb: {  	s12 =	simm.s32 $0xB000;
	s10 =	sadd.s32 $0x7D0, s10;
	s3 =	sadd.s32 $0x3E80, s3  }
0xbc: {  	[tilespmem:s12], [sflag:$0x4] =	stream.linear.gather [hbm4b:s25+s5], $0xFA0, $0x38;
	[tilespmem:$0xC000] =	vst v63  }
.LBB2_5:
0xbd: {  	_ =	sfence.sel $0x180000  }
0xbe: {  	[bflag:$0x0] =	sbarrier.arrive $0xFFFF  }
0xbf: {  	_ =	strace $0x90000047  }
0xc0: {  	s0 =	stileid.u32;
	[bflag:$0x2] =	sbarrier.arrive $0xFFFF  }
0xc1: {  	p0 =	sne.s32 s0, $0x0;
	s0 =	rddreg [dreg:$0x5]  }
0xc2: {  	s0 =	sadd.s32 @!p0 $0x100000, s0  }
0xc3: {  	[sflag:s0] =	ssyncadd.tile.s32 @!p0 $0x1;
	_ =	shalt  }
.Lfunc_end2:
_tile_overlayer_lowered:
.L_overlay_start_2:
0xc4: {  	(tag) =	ssettag $0x2  }
0xc5: {  	s0 =	rddreg [dreg:$0x0];
	s2 =	stileid.u32  }
0xc6: {  	s1 =	rddreg [dreg:$0x1];
	p0 =	sne.s32 s2, $0x0  }
0xc7: {  	s3 =	rddreg [dreg:$0x2];
	[bflag:$0x3] =	sbarrier.arrive $0xFFFF;
	s2 =	simm.s32 @!p0 $0x1C09  }
0xc8: {  	[timem:s3], [sflag:s2] =	dma.local @!p0 [hbm:s0], s1  }
0xc9: {  	s0 =	simm.s32 @!p0 $0x9  }
0xca: {  	_ =	swait.ge @!p0 [sflag:s0], s1  }
0xcb: {  	s1 =	ssub.s32 @!p0 $0x0, s1;
	[sflag:s0] =	ssyncset.done @!p0 $0x0  }
0xcc: {  	[sflag:s0] =	ssyncadd.s32 @!p0 s1  }
0xcd: {  	[bflag:$0x3] =	sbarrier.arrive $0xFFFF  }
0xce: {  	_ =	shalt  }

</sc_bundles>
